<compile_context>
chip_gen: v7x
topology: tpu7x:2x2x1
jax: 0.10.2.dev20260603
libtpu: 0.0.44.dev20260713+nightly
codegen_flags: <defaults>
</compile_context>

<pallas_src>
import jax
import jax.numpy as jnp
import numpy as np
from jax import lax
from jax.experimental import pallas as pl
from jax.experimental.pallas import tpu as pltpu

NV = 100
NF = 10
NT = 110

_RECV_BASE = np.where(~np.eye(NV, dtype=bool))[1]
_RECV_FIELD = np.tile(np.arange(NV), NF)


def _rot_rows(vt):
    px, py, pz = vt[0:1, :], vt[1:2, :], vt[2:3, :]
    vx, vy, vz = vt[3:4, :], vt[4:5, :], vt[5:6, :]
    return (px, py, pz, vx, vy, vz) + _rot_entries(vx, vy, vz)


def _rot_entries(vx, vy, vz):
    az = jnp.arctan2(vy, vx)
    el = jnp.arctan2(vz, jnp.sqrt(vx * vx + vy * vy) + 1e-12)
    ca, sa = jnp.cos(az), jnp.sin(az)
    ce, se = jnp.cos(el), jnp.sin(el)
    r00 = ce * ca
    r01 = ce * sa
    r02 = se
    r10 = -sa
    r11 = ca
    r20 = -se * ca
    r21 = -se * sa
    r22 = ce
    return r00, r01, r02, r10, r11, r20, r21, r22


def _transpose_rows(rows):
    a = jnp.concatenate(rows, axis=0)
    q = a.shape[0]
    eye = (lax.broadcasted_iota(jnp.int32, (q, q), 0) ==
           lax.broadcasted_iota(jnp.int32, (q, q), 1)).astype(jnp.float32)
    return lax.dot_general(a, eye, (((0,), (0,)), ((), ())),
                           precision=lax.Precision.HIGHEST,
                           preferred_element_type=jnp.float32)


_ATAN_C = (0.9999999990537065, -0.33333296715154836, 0.1999854226698589,
           -0.14264389793837884, 0.10953449852554771, -0.08407879226713313,
           0.05804045200129064, -0.031264506560479674, 0.010962443145263456,
           -0.0018044901811632846)


def _fast_atan2(y, x):
    ax, ay = jnp.abs(x), jnp.abs(y)
    hi = jnp.maximum(ax, ay)
    lo = jnp.minimum(ax, ay)
    t = lo / hi
    z = t * t
    p = jnp.float32(_ATAN_C[9])
    for i in range(8, -1, -1):
        p = p * z + jnp.float32(_ATAN_C[i])
    a = t * p
    a = jnp.where(ay > ax, jnp.float32(jnp.pi / 2) - a, a)
    a = jnp.where(x < 0, jnp.float32(jnp.pi) - a, a)
    a = jnp.where(hi == 0, jnp.float32(0), a)
    ab = lax.bitcast_convert_type(a, jnp.uint32)
    yb = lax.bitcast_convert_type(y, jnp.uint32)
    return lax.bitcast_convert_type(
        ab | (yb & jnp.uint32(0x80000000)), jnp.float32)


def _edge_channels(snd, rcv):
    (spx, spy, spz, svx, svy, svz,
     s00, s01, s02, s10, s11, s20, s21, s22) = snd
    (rpx, rpy, rpz, rvx, rvy, rvz,
     r00, r01, r02, r10, r11, r20, r21, r22) = rcv

    dpx, dpy, dpz = spx - rpx, spy - rpy, spz - rpz
    dvx, dvy, dvz = svx - rvx, svy - rvy, svz - rvz

    lp0 = r00 * dpx + r01 * dpy + r02 * dpz
    lp1 = r10 * dpx + r11 * dpy
    lp2 = r20 * dpx + r21 * dpy + r22 * dpz

    lv0 = r00 * dvx + r01 * dvy + r02 * dvz
    lv1 = r10 * dvx + r11 * dvy
    lv2 = r20 * dvx + r21 * dvy + r22 * dvz

    def bf(t):
        return t.astype(jnp.bfloat16).astype(jnp.float32)

    b00, b01, b02 = bf(r00), bf(r01), bf(r02)
    b10, b11 = bf(r10), bf(r11)
    b20, b21, b22 = bf(r20), bf(r21), bf(r22)
    c00, c01, c02 = bf(s00), bf(s01), bf(s02)
    c10, c11 = bf(s10), bf(s11)
    c20, c21, c22 = bf(s20), bf(s21), bf(s22)
    rr00 = b00 * c00 + b01 * c01 + b02 * c02
    rr10 = b10 * c00 + b11 * c01
    rr20 = b20 * c00 + b21 * c01 + b22 * c02
    rr21 = b20 * c10 + b21 * c11
    rr22 = b20 * c20 + b21 * c21 + b22 * c22

    alpha = _fast_atan2(rr21, rr22)
    beta = _fast_atan2(-rr20, jnp.sqrt(rr21 * rr21 + rr22 * rr22) + 1e-12)
    gamma = _fast_atan2(rr10, rr00)

    rad = jnp.sqrt(lp0 * lp0 + lp1 * lp1 + lp2 * lp2 + 1e-12)
    az2 = _fast_atan2(lp1, lp0)
    el2 = _fast_atan2(lp2, jnp.sqrt(lp0 * lp0 + lp1 * lp1) + 1e-12)

    return [lp0, lp1, lp2, alpha, beta, gamma, rad, az2, el2,
            lv0, lv1, lv2]


def _body(xt_ref, extt_ref, relfeat_ref, rinv_ref, ea_ref, fea_ref):
    xt = xt_ref[0]
    extt = extt_ref[0]

    rcv_all = _rot_rows(extt)

    (_, _, _, tvx, tvy, tvz,
     t00, t01, t02, t10, t11, t20, t21, t22) = _rot_rows(xt)
    lvr = (t00 * tvx + t01 * tvy + t02 * tvz,
           t10 * tvx + t11 * tvy,
           t20 * tvx + t21 * tvy + t22 * tvz)

    zr = jnp.zeros_like(t00)
    nodal = _transpose_rows([zr, zr, zr, lvr[0], lvr[1], lvr[2],
                             t00, t10, t20, t01, t11, t21, t02, zr, t22])
    relfeat_ref[0] = nodal[:, 0:6]
    rinv_ref[0] = nodal[:, 6:15]

    sndt = _transpose_rows(list(rcv_all))
    snd_all = tuple(sndt[:, i:i + 1] for i in range(14))

    si = lax.broadcasted_iota(jnp.int32, (NV, NV - 1), 0)
    ji = lax.broadcasted_iota(jnp.int32, (NV, NV - 1), 1)
    skip = ji >= si

    def shift(q):
        return jnp.where(skip, q[:, 1:NV], q[:, 0:NV - 1])

    snd_base = tuple(q[0:NV] for q in snd_all)
    rcv_base = tuple(shift(q) for q in rcv_all)
    ch = _edge_channels(snd_base, rcv_base)
    for c in range(12):
        ea_ref[0, c] = ch[c]

    snd_f = tuple(q[NV:NT] for q in snd_all)
    rcv_f = tuple(q[:, 0:NV] for q in rcv_all)
    chf = _edge_channels(snd_f, rcv_f)
    for c in range(12):
        fea_ref[0, c] = chf[c]


def kernel(x, extended_inputs):
    B = x.shape[0]
    xt = jnp.swapaxes(x, 1, 2)
    extt = jnp.swapaxes(extended_inputs, 1, 2)

    out_shapes = (
        jax.ShapeDtypeStruct((B, NV, 6), jnp.float32),
        jax.ShapeDtypeStruct((B, NV, 9), jnp.float32),
        jax.ShapeDtypeStruct((B, 12, NV, NV - 1), jnp.float32),
        jax.ShapeDtypeStruct((B, 12, NF, NV), jnp.float32),
    )
    in_specs = [
        pl.BlockSpec((1, 6, NV), lambda b: (b, 0, 0)),
        pl.BlockSpec((1, 6, NT), lambda b: (b, 0, 0)),
    ]
    out_specs = (
        pl.BlockSpec((1, NV, 6), lambda b: (b, 0, 0)),
        pl.BlockSpec((1, NV, 9), lambda b: (b, 0, 0)),
        pl.BlockSpec((1, 12, NV, NV - 1), lambda b: (b, 0, 0, 0)),
        pl.BlockSpec((1, 12, NF, NV), lambda b: (b, 0, 0, 0)),
    )
    relfeat, rinv9, ea, fea = pl.pallas_call(
        _body,
        grid=(B,),
        in_specs=in_specs,
        out_specs=out_specs,
        out_shape=out_shapes,
        compiler_params=pltpu.CompilerParams(
            dimension_semantics=("parallel",)),
    )(xt, extt)

    rinv = rinv9.reshape(B, NV, 3, 3)
    eat = jnp.transpose(ea, (0, 2, 3, 1)).reshape(B, NV * (NV - 1), 12)
    feat = jnp.transpose(fea, (0, 2, 3, 1)).reshape(B, NF * NV, 12)
    tail = jnp.take(relfeat, jnp.asarray(_RECV_BASE), axis=1)
    ftail = jnp.take(relfeat, jnp.asarray(_RECV_FIELD), axis=1)
    edge_attr = jnp.concatenate([eat, tail], axis=-1)
    edge_pos = eat[..., 3:9]
    field_edge_attr = jnp.concatenate([feat, ftail], axis=-1)
    field_edge_pos = feat[..., 3:9]
    return (relfeat, rinv, edge_attr, edge_pos, field_edge_attr,
            field_edge_pos)

# --- scband reference (transcript-rebuilt; emitter-appended) ---
"""Pipeline reference for scband-oracle-localizer-7215545057989 (READ-ONLY COPY).

The authoritative reference and input builder live on the scoring server;
editing this copy changes nothing except your own understanding.
"""

import jax, jax.numpy as jnp
import numpy as np

NUM_VARS = 100
NUM_SOURCES = 10

_eye = np.eye(NUM_VARS, dtype=bool)
_send_base, _recv_base = np.where(~_eye)
_extra_send = np.repeat(np.arange(NUM_VARS, NUM_VARS + NUM_SOURCES), NUM_VARS)
_extra_recv = np.tile(np.arange(NUM_VARS), NUM_SOURCES)
SEND_EDGES = jnp.asarray(np.concatenate([_send_base, _extra_send]))
RECV_EDGES = jnp.asarray(np.concatenate([_recv_base, _extra_recv]))
N_BASE_EDGES = int(_send_base.shape[0])
EDGE_POS_IDX = jnp.asarray([3, 4, 5, 6, 7, 8])


def rotations_from_vel(vel):
    vx, vy, vz = vel[..., 0], vel[..., 1], vel[..., 2]
    az = jnp.arctan2(vy, vx)
    el = jnp.arctan2(vz, jnp.sqrt(vx * vx + vy * vy) + 1e-12)
    ca, sa = jnp.cos(az), jnp.sin(az)
    ce, se = jnp.cos(el), jnp.sin(el)
    zero = jnp.zeros_like(ca)
    row0 = jnp.stack([ce * ca, ce * sa, se], -1)
    row1 = jnp.stack([-sa, ca, zero], -1)
    row2 = jnp.stack([-se * ca, -se * sa, ce], -1)
    return jnp.stack([row0, row1, row2], -2)


def canonicalize_inputs(x):
    pos, vel = x[..., :3], x[..., 3:6]
    R = rotations_from_vel(vel)
    Rinv = jnp.swapaxes(R, -1, -2)
    local_vel = jnp.einsum('bnij,bnj->bni', R, vel)
    rel_feat = jnp.concatenate([jnp.zeros_like(pos), local_vel], -1)
    return rel_feat, Rinv


def create_3d_edge_attr_pos_vel(inputs, send_edges, recv_edges):
    pos, vel = inputs[..., :3], inputs[..., 3:6]
    R = rotations_from_vel(vel)
    R_send = jnp.take(R, send_edges, axis=1)
    R_recv = jnp.take(R, recv_edges, axis=1)
    rel_pos = jnp.take(pos, send_edges, axis=1) - jnp.take(pos, recv_edges, axis=1)
    rel_vel = jnp.take(vel, send_edges, axis=1) - jnp.take(vel, recv_edges, axis=1)
    local_pos = jnp.einsum('beij,bej->bei', R_recv, rel_pos)
    local_vel = jnp.einsum('beij,bej->bei', R_recv, rel_vel)
    R_rel = jnp.einsum('beij,bekj->beik', R_recv, R_send)
    alpha = jnp.arctan2(R_rel[..., 2, 1], R_rel[..., 2, 2])
    beta = jnp.arctan2(-R_rel[..., 2, 0], jnp.sqrt(R_rel[..., 2, 1] ** 2 + R_rel[..., 2, 2] ** 2) + 1e-12)
    gamma = jnp.arctan2(R_rel[..., 1, 0], R_rel[..., 0, 0])
    orient = jnp.stack([alpha, beta, gamma], -1)
    r = jnp.sqrt(jnp.sum(local_pos * local_pos, -1) + 1e-12)
    az2 = jnp.arctan2(local_pos[..., 1], local_pos[..., 0])
    el2 = jnp.arctan2(local_pos[..., 2], jnp.sqrt(local_pos[..., 0] ** 2 + local_pos[..., 1] ** 2) + 1e-12)
    polar = jnp.stack([r, az2, el2], -1)
    return jnp.concatenate([local_pos, orient, polar, local_vel], -1)


def setup_inputs(seed: int = 0):
    key = jax.random.key(seed)
    k1, k2 = jax.random.split(key)
    x = jax.random.normal(k1, (128, NUM_VARS, 6), dtype=jnp.float32)
    extended_inputs = jax.random.normal(k2, (128, NUM_VARS + NUM_SOURCES, 6), dtype=jnp.float32)
    return {"x": x, "extended_inputs": extended_inputs}


def reference(x, extended_inputs):
    rel_feat, Rinv = canonicalize_inputs(x)
    edge_attr = create_3d_edge_attr_pos_vel(extended_inputs, SEND_EDGES, RECV_EDGES)
    edge_pos = jnp.take(edge_attr, EDGE_POS_IDX, axis=-1)
    edge_attr = jnp.concatenate([edge_attr, jnp.take(rel_feat, RECV_EDGES, axis=1)], -1)
    field_edge_attr = edge_attr[:, N_BASE_EDGES:]
    field_edge_pos = edge_pos[:, N_BASE_EDGES:]
    edge_attr = edge_attr[:, :N_BASE_EDGES]
    edge_pos = edge_pos[:, :N_BASE_EDGES]
    return (rel_feat, Rinv, edge_attr, edge_pos, field_edge_attr, field_edge_pos)

if __name__ == "__main__":
    import jax
    _d = setup_inputs()
    print(jax.jit(kernel)(*tuple(_d.values())))

</pallas_src>

<mosaic_0001>
module attributes {stable_mosaic.version = 14 : i64} {
  func.func @_body(%arg0: i32, %arg1: memref<1x6x100xf32, #tpu.memory_space<vmem>>, %arg2: memref<1x6x110xf32, #tpu.memory_space<vmem>>, %arg3: memref<1x100x6xf32, #tpu.memory_space<vmem>>, %arg4: memref<1x100x9xf32, #tpu.memory_space<vmem>>, %arg5: memref<1x12x100x99xf32, #tpu.memory_space<vmem>>, %arg6: memref<1x12x10x100xf32, #tpu.memory_space<vmem>>) attributes {dimension_semantics = [#tpu.dimension_semantics<parallel>], iteration_bounds = array<i64: 128>, scalar_prefetch = 0 : i64, scratch_operands = 0 : i64, tpu.core_type = #tpu.core_type<tc>, window_params = [{transform_indices = @transform_0, window_bounds = array<i64: 1, 6, 100>}, {transform_indices = @transform_1, window_bounds = array<i64: 1, 6, 110>}, {transform_indices = @transform_2, window_bounds = array<i64: 1, 100, 6>}, {transform_indices = @transform_3, window_bounds = array<i64: 1, 100, 9>}, {transform_indices = @transform_4, window_bounds = array<i64: 1, 12, 100, 99>}, {transform_indices = @transform_5, window_bounds = array<i64: 1, 12, 10, 100>}]} {
    %get3A = arith.constant 0 : index
    %get3A_0 = arith.constant 0 : index
    %get3A_1 = arith.constant 0 : index
    %get3A_2 = vector.load %arg1[%get3A, %get3A_0, %get3A_1] : memref<1x6x100xf32, #tpu.memory_space<vmem>>, vector<1x6x100xf32>
    %get3A_3 = vector.shape_cast %get3A_2 : vector<1x6x100xf32> to vector<6x100xf32>
    %get3A_4 = arith.constant 0 : index
    %get3A_5 = arith.constant 0 : index
    %get3A_6 = arith.constant 0 : index
    %get3A_7 = vector.load %arg2[%get3A_4, %get3A_5, %get3A_6] : memref<1x6x110xf32, #tpu.memory_space<vmem>>, vector<1x6x110xf32>
    %get3A_8 = vector.shape_cast %get3A_7 : vector<1x6x110xf32> to vector<6x110xf32>
    %slice3A = vector.extract_strided_slice %get3A_8 {offsets = [0, 0], sizes = [1, 110], strides = [1, 1]} : vector<6x110xf32> to vector<1x110xf32>
    %slice3A_9 = vector.extract_strided_slice %get3A_8 {offsets = [1, 0], sizes = [1, 110], strides = [1, 1]} : vector<6x110xf32> to vector<1x110xf32>
    %slice3A_10 = vector.extract_strided_slice %get3A_8 {offsets = [2, 0], sizes = [1, 110], strides = [1, 1]} : vector<6x110xf32> to vector<1x110xf32>
    %slice3A_11 = vector.extract_strided_slice %get3A_8 {offsets = [3, 0], sizes = [1, 110], strides = [1, 1]} : vector<6x110xf32> to vector<1x110xf32>
    %slice3A_12 = vector.extract_strided_slice %get3A_8 {offsets = [4, 0], sizes = [1, 110], strides = [1, 1]} : vector<6x110xf32> to vector<1x110xf32>
    %slice3A_13 = vector.extract_strided_slice %get3A_8 {offsets = [5, 0], sizes = [1, 110], strides = [1, 1]} : vector<6x110xf32> to vector<1x110xf32>
    %atan23A = math.atan2 %slice3A_12, %slice3A_11 : vector<1x110xf32>
    %mul3A = arith.mulf %slice3A_11, %slice3A_11 : vector<1x110xf32>
    %mul3A_14 = arith.mulf %slice3A_12, %slice3A_12 : vector<1x110xf32>
    %add3A = arith.addf %mul3A, %mul3A_14 : vector<1x110xf32>
    %sqrt3A = math.sqrt %add3A : vector<1x110xf32>
    %add3A_15 = arith.constant 9.99999996E-13 : f32
    %add3A_16 = vector.broadcast %add3A_15 : f32 to vector<1x110xf32>
    %add3A_17 = arith.addf %sqrt3A, %add3A_16 : vector<1x110xf32>
    %atan23A_18 = math.atan2 %slice3A_13, %add3A_17 : vector<1x110xf32>
    %cos3A = math.cos %atan23A : vector<1x110xf32>
    %sin3A = math.sin %atan23A : vector<1x110xf32>
    %cos3A_19 = math.cos %atan23A_18 : vector<1x110xf32>
    %sin3A_20 = math.sin %atan23A_18 : vector<1x110xf32>
    %mul3A_21 = arith.mulf %cos3A_19, %cos3A : vector<1x110xf32>
    %mul3A_22 = arith.mulf %cos3A_19, %sin3A : vector<1x110xf32>
    %neg3A = arith.constant 0.000000e+00 : f32
    %neg3A_23 = vector.broadcast %neg3A : f32 to vector<1x110xf32>
    %neg3A_24 = arith.subf %neg3A_23, %sin3A : vector<1x110xf32>
    %neg3A_25 = arith.constant 0.000000e+00 : f32
    %neg3A_26 = vector.broadcast %neg3A_25 : f32 to vector<1x110xf32>
    %neg3A_27 = arith.subf %neg3A_26, %sin3A_20 : vector<1x110xf32>
    %mul3A_28 = arith.mulf %neg3A_27, %cos3A : vector<1x110xf32>
    %neg3A_29 = arith.constant 0.000000e+00 : f32
    %neg3A_30 = vector.broadcast %neg3A_29 : f32 to vector<1x110xf32>
    %neg3A_31 = arith.subf %neg3A_30, %sin3A_20 : vector<1x110xf32>
    %mul3A_32 = arith.mulf %neg3A_31, %sin3A : vector<1x110xf32>
    %slice3A_33 = vector.extract_strided_slice %get3A_3 {offsets = [3, 0], sizes = [1, 100], strides = [1, 1]} : vector<6x100xf32> to vector<1x100xf32>
    %slice3A_34 = vector.extract_strided_slice %get3A_3 {offsets = [4, 0], sizes = [1, 100], strides = [1, 1]} : vector<6x100xf32> to vector<1x100xf32>
    %slice3A_35 = vector.extract_strided_slice %get3A_3 {offsets = [5, 0], sizes = [1, 100], strides = [1, 1]} : vector<6x100xf32> to vector<1x100xf32>
    %atan23A_36 = math.atan2 %slice3A_34, %slice3A_33 : vector<1x100xf32>
    %mul3A_37 = arith.mulf %slice3A_33, %slice3A_33 : vector<1x100xf32>
    %mul3A_38 = arith.mulf %slice3A_34, %slice3A_34 : vector<1x100xf32>
    %add3A_39 = arith.addf %mul3A_37, %mul3A_38 : vector<1x100xf32>
    %sqrt3A_40 = math.sqrt %add3A_39 : vector<1x100xf32>
    %add3A_41 = arith.constant 9.99999996E-13 : f32
    %add3A_42 = vector.broadcast %add3A_41 : f32 to vector<1x100xf32>
    %add3A_43 = arith.addf %sqrt3A_40, %add3A_42 : vector<1x100xf32>
    %atan23A_44 = math.atan2 %slice3A_35, %add3A_43 : vector<1x100xf32>
    %cos3A_45 = math.cos %atan23A_36 : vector<1x100xf32>
    %sin3A_46 = math.sin %atan23A_36 : vector<1x100xf32>
    %cos3A_47 = math.cos %atan23A_44 : vector<1x100xf32>
    %sin3A_48 = math.sin %atan23A_44 : vector<1x100xf32>
    %mul3A_49 = arith.mulf %cos3A_47, %cos3A_45 : vector<1x100xf32>
    %mul3A_50 = arith.mulf %cos3A_47, %sin3A_46 : vector<1x100xf32>
    %neg3A_51 = arith.constant 0.000000e+00 : f32
    %neg3A_52 = vector.broadcast %neg3A_51 : f32 to vector<1x100xf32>
    %neg3A_53 = arith.subf %neg3A_52, %sin3A_46 : vector<1x100xf32>
    %neg3A_54 = arith.constant 0.000000e+00 : f32
    %neg3A_55 = vector.broadcast %neg3A_54 : f32 to vector<1x100xf32>
    %neg3A_56 = arith.subf %neg3A_55, %sin3A_48 : vector<1x100xf32>
    %mul3A_57 = arith.mulf %neg3A_56, %cos3A_45 : vector<1x100xf32>
    %neg3A_58 = arith.constant 0.000000e+00 : f32
    %neg3A_59 = vector.broadcast %neg3A_58 : f32 to vector<1x100xf32>
    %neg3A_60 = arith.subf %neg3A_59, %sin3A_48 : vector<1x100xf32>
    %mul3A_61 = arith.mulf %neg3A_60, %sin3A_46 : vector<1x100xf32>
    %mul3A_62 = arith.mulf %mul3A_49, %slice3A_33 : vector<1x100xf32>
    %mul3A_63 = arith.mulf %mul3A_50, %slice3A_34 : vector<1x100xf32>
    %add3A_64 = arith.addf %mul3A_62, %mul3A_63 : vector<1x100xf32>
    %mul3A_65 = arith.mulf %sin3A_48, %slice3A_35 : vector<1x100xf32>
    %add3A_66 = arith.addf %add3A_64, %mul3A_65 : vector<1x100xf32>
    %mul3A_67 = arith.mulf %neg3A_53, %slice3A_33 : vector<1x100xf32>
    %mul3A_68 = arith.mulf %cos3A_45, %slice3A_34 : vector<1x100xf32>
    %add3A_69 = arith.addf %mul3A_67, %mul3A_68 : vector<1x100xf32>
    %mul3A_70 = arith.mulf %mul3A_57, %slice3A_33 : vector<1x100xf32>
    %mul3A_71 = arith.mulf %mul3A_61, %slice3A_34 : vector<1x100xf32>
    %add3A_72 = arith.addf %mul3A_70, %mul3A_71 : vector<1x100xf32>
    %mul3A_73 = arith.mulf %cos3A_47, %slice3A_35 : vector<1x100xf32>
    %add3A_74 = arith.addf %add3A_72, %mul3A_73 : vector<1x100xf32>
    %broadcast_in_dim3A = arith.constant 0.000000e+00 : f32
    %broadcast_in_dim3A_75 = vector.broadcast %broadcast_in_dim3A : f32 to vector<1x100xf32>
    %concatenate3A = tpu.concatenate %broadcast_in_dim3A_75, %broadcast_in_dim3A_75, %broadcast_in_dim3A_75, %add3A_66, %add3A_69, %add3A_74, %mul3A_49, %neg3A_53, %mul3A_57, %mul3A_50, %cos3A_45, %mul3A_61, %sin3A_48, %broadcast_in_dim3A_75, %cos3A_47 in 0 : vector<1x100xf32>, vector<1x100xf32>, vector<1x100xf32>, vector<1x100xf32>, vector<1x100xf32>, vector<1x100xf32>, vector<1x100xf32>, vector<1x100xf32>, vector<1x100xf32>, vector<1x100xf32>, vector<1x100xf32>, vector<1x100xf32>, vector<1x100xf32>, vector<1x100xf32>, vector<1x100xf32> -> vector<15x100xf32>
    %iota3A = tpu.iota {dimensions = array<i32: 0>} : vector<15x15xi32>
    %iota3A_76 = tpu.iota {dimensions = array<i32: 1>} : vector<15x15xi32>
    %eq3A = arith.cmpi eq, %iota3A, %iota3A_76 : vector<15x15xi32>
    %convert_element_type3A = arith.extui %eq3A : vector<15x15xi1> to vector<15x15xi32>
    %convert_element_type3A_77 = arith.sitofp %convert_element_type3A : vector<15x15xi32> to vector<15x15xf32>
    %dot_general3A = arith.constant dense<0.000000e+00> : vector<100x15xf32>
    %dot_general3A_78 = tpu.matmul %concatenate3A, %convert_element_type3A_77, %dot_general3A {dimension_numbers = #tpu.dot_dimension_numbers<[0], [0], [1], [1], [0, 1, 1, 1], [], []>, precision = #tpu.contract_precision<fp32>, transpose_lhs_hint = false} : vector<15x100xf32>, vector<15x15xf32>, vector<100x15xf32> -> vector<100x15xf32>
    %slice3A_79 = vector.extract_strided_slice %dot_general3A_78 {offsets = [0, 0], sizes = [100, 6], strides = [1, 1]} : vector<100x15xf32> to vector<100x6xf32>
    %swap3A = arith.constant 0 : index
    %swap3A_80 = arith.constant 0 : index
    %swap3A_81 = arith.constant 0 : index
    %swap3A_82 = vector.load %arg3[%swap3A, %swap3A_80, %swap3A_81] : memref<1x100x6xf32, #tpu.memory_space<vmem>>, vector<1x100x6xf32>
    %swap3A_83 = vector.shape_cast %swap3A_82 : vector<1x100x6xf32> to vector<100x6xf32>
    %swap3A_84 = vector.shape_cast %slice3A_79 : vector<100x6xf32> to vector<1x100x6xf32>
    tpu.vector_store %arg3[%swap3A, %swap3A_80, %swap3A_81], %swap3A_84 {strides = array<i32>} : memref<1x100x6xf32, #tpu.memory_space<vmem>>, vector<1x100x6xf32>,
    %slice3A_85 = vector.extract_strided_slice %dot_general3A_78 {offsets = [0, 6], sizes = [100, 9], strides = [1, 1]} : vector<100x15xf32> to vector<100x9xf32>
    %swap3A_86 = arith.constant 0 : index
    %swap3A_87 = arith.constant 0 : index
    %swap3A_88 = arith.constant 0 : index
    %swap3A_89 = vector.load %arg4[%swap3A_86, %swap3A_87, %swap3A_88] : memref<1x100x9xf32, #tpu.memory_space<vmem>>, vector<1x100x9xf32>
    %swap3A_90 = vector.shape_cast %swap3A_89 : vector<1x100x9xf32> to vector<100x9xf32>
    %swap3A_91 = vector.shape_cast %slice3A_85 : vector<100x9xf32> to vector<1x100x9xf32>
    tpu.vector_store %arg4[%swap3A_86, %swap3A_87, %swap3A_88], %swap3A_91 {strides = array<i32>} : memref<1x100x9xf32, #tpu.memory_space<vmem>>, vector<1x100x9xf32>,
    %concatenate3A_92 = tpu.concatenate %slice3A, %slice3A_9, %slice3A_10, %slice3A_11, %slice3A_12, %slice3A_13, %mul3A_21, %mul3A_22, %sin3A_20, %neg3A_24, %cos3A, %mul3A_28, %mul3A_32, %cos3A_19 in 0 : vector<1x110xf32>, vector<1x110xf32>, vector<1x110xf32>, vector<1x110xf32>, vector<1x110xf32>, vector<1x110xf32>, vector<1x110xf32>, vector<1x110xf32>, vector<1x110xf32>, vector<1x110xf32>, vector<1x110xf32>, vector<1x110xf32>, vector<1x110xf32>, vector<1x110xf32> -> vector<14x110xf32>
    %iota3A_93 = tpu.iota {dimensions = array<i32: 0>} : vector<14x14xi32>
    %iota3A_94 = tpu.iota {dimensions = array<i32: 1>} : vector<14x14xi32>
    %eq3A_95 = arith.cmpi eq, %iota3A_93, %iota3A_94 : vector<14x14xi32>
    %convert_element_type3A_96 = arith.extui %eq3A_95 : vector<14x14xi1> to vector<14x14xi32>
    %convert_element_type3A_97 = arith.sitofp %convert_element_type3A_96 : vector<14x14xi32> to vector<14x14xf32>
    %dot_general3A_98 = arith.constant dense<0.000000e+00> : vector<110x14xf32>
    %dot_general3A_99 = tpu.matmul %concatenate3A_92, %convert_element_type3A_97, %dot_general3A_98 {dimension_numbers = #tpu.dot_dimension_numbers<[0], [0], [1], [1], [0, 1, 1, 1], [], []>, precision = #tpu.contract_precision<fp32>, transpose_lhs_hint = false} : vector<14x110xf32>, vector<14x14xf32>, vector<110x14xf32> -> vector<110x14xf32>
    %slice3A_100 = vector.extract_strided_slice %dot_general3A_99 {offsets = [0, 0], sizes = [110, 1], strides = [1, 1]} : vector<110x14xf32> to vector<110x1xf32>
    %slice3A_101 = vector.extract_strided_slice %dot_general3A_99 {offsets = [0, 1], sizes = [110, 1], strides = [1, 1]} : vector<110x14xf32> to vector<110x1xf32>
    %slice3A_102 = vector.extract_strided_slice %dot_general3A_99 {offsets = [0, 2], sizes = [110, 1], strides = [1, 1]} : vector<110x14xf32> to vector<110x1xf32>
    %slice3A_103 = vector.extract_strided_slice %dot_general3A_99 {offsets = [0, 3], sizes = [110, 1], strides = [1, 1]} : vector<110x14xf32> to vector<110x1xf32>
    %slice3A_104 = vector.extract_strided_slice %dot_general3A_99 {offsets = [0, 4], sizes = [110, 1], strides = [1, 1]} : vector<110x14xf32> to vector<110x1xf32>
    %slice3A_105 = vector.extract_strided_slice %dot_general3A_99 {offsets = [0, 5], sizes = [110, 1], strides = [1, 1]} : vector<110x14xf32> to vector<110x1xf32>
    %slice3A_106 = vector.extract_strided_slice %dot_general3A_99 {offsets = [0, 6], sizes = [110, 1], strides = [1, 1]} : vector<110x14xf32> to vector<110x1xf32>
    %slice3A_107 = vector.extract_strided_slice %dot_general3A_99 {offsets = [0, 7], sizes = [110, 1], strides = [1, 1]} : vector<110x14xf32> to vector<110x1xf32>
    %slice3A_108 = vector.extract_strided_slice %dot_general3A_99 {offsets = [0, 8], sizes = [110, 1], strides = [1, 1]} : vector<110x14xf32> to vector<110x1xf32>
    %slice3A_109 = vector.extract_strided_slice %dot_general3A_99 {offsets = [0, 9], sizes = [110, 1], strides = [1, 1]} : vector<110x14xf32> to vector<110x1xf32>
    %slice3A_110 = vector.extract_strided_slice %dot_general3A_99 {offsets = [0, 10], sizes = [110, 1], strides = [1, 1]} : vector<110x14xf32> to vector<110x1xf32>
    %slice3A_111 = vector.extract_strided_slice %dot_general3A_99 {offsets = [0, 11], sizes = [110, 1], strides = [1, 1]} : vector<110x14xf32> to vector<110x1xf32>
    %slice3A_112 = vector.extract_strided_slice %dot_general3A_99 {offsets = [0, 12], sizes = [110, 1], strides = [1, 1]} : vector<110x14xf32> to vector<110x1xf32>
    %slice3A_113 = vector.extract_strided_slice %dot_general3A_99 {offsets = [0, 13], sizes = [110, 1], strides = [1, 1]} : vector<110x14xf32> to vector<110x1xf32>
    %iota3A_114 = tpu.iota {dimensions = array<i32: 0>} : vector<100x99xi32>
    %iota3A_115 = tpu.iota {dimensions = array<i32: 1>} : vector<100x99xi32>
    %ge3A = arith.cmpi sge, %iota3A_115, %iota3A_114 : vector<100x99xi32>
    %slice3A_116 = vector.extract_strided_slice %slice3A_100 {offsets = [0, 0], sizes = [100, 1], strides = [1, 1]} : vector<110x1xf32> to vector<100x1xf32>
    %slice3A_117 = vector.extract_strided_slice %slice3A_101 {offsets = [0, 0], sizes = [100, 1], strides = [1, 1]} : vector<110x1xf32> to vector<100x1xf32>
    %slice3A_118 = vector.extract_strided_slice %slice3A_102 {offsets = [0, 0], sizes = [100, 1], strides = [1, 1]} : vector<110x1xf32> to vector<100x1xf32>
    %slice3A_119 = vector.extract_strided_slice %slice3A_103 {offsets = [0, 0], sizes = [100, 1], strides = [1, 1]} : vector<110x1xf32> to vector<100x1xf32>
    %slice3A_120 = vector.extract_strided_slice %slice3A_104 {offsets = [0, 0], sizes = [100, 1], strides = [1, 1]} : vector<110x1xf32> to vector<100x1xf32>
    %slice3A_121 = vector.extract_strided_slice %slice3A_105 {offsets = [0, 0], sizes = [100, 1], strides = [1, 1]} : vector<110x1xf32> to vector<100x1xf32>
    %slice3A_122 = vector.extract_strided_slice %slice3A_106 {offsets = [0, 0], sizes = [100, 1], strides = [1, 1]} : vector<110x1xf32> to vector<100x1xf32>
    %slice3A_123 = vector.extract_strided_slice %slice3A_107 {offsets = [0, 0], sizes = [100, 1], strides = [1, 1]} : vector<110x1xf32> to vector<100x1xf32>
    %slice3A_124 = vector.extract_strided_slice %slice3A_108 {offsets = [0, 0], sizes = [100, 1], strides = [1, 1]} : vector<110x1xf32> to vector<100x1xf32>
    %slice3A_125 = vector.extract_strided_slice %slice3A_109 {offsets = [0, 0], sizes = [100, 1], strides = [1, 1]} : vector<110x1xf32> to vector<100x1xf32>
    %slice3A_126 = vector.extract_strided_slice %slice3A_110 {offsets = [0, 0], sizes = [100, 1], strides = [1, 1]} : vector<110x1xf32> to vector<100x1xf32>
    %slice3A_127 = vector.extract_strided_slice %slice3A_111 {offsets = [0, 0], sizes = [100, 1], strides = [1, 1]} : vector<110x1xf32> to vector<100x1xf32>
    %slice3A_128 = vector.extract_strided_slice %slice3A_112 {offsets = [0, 0], sizes = [100, 1], strides = [1, 1]} : vector<110x1xf32> to vector<100x1xf32>
    %slice3A_129 = vector.extract_strided_slice %slice3A_113 {offsets = [0, 0], sizes = [100, 1], strides = [1, 1]} : vector<110x1xf32> to vector<100x1xf32>
    %slice3A_130 = vector.extract_strided_slice %slice3A {offsets = [0, 1], sizes = [1, 99], strides = [1, 1]} : vector<1x110xf32> to vector<1x99xf32>
    %slice3A_131 = vector.extract_strided_slice %slice3A {offsets = [0, 0], sizes = [1, 99], strides = [1, 1]} : vector<1x110xf32> to vector<1x99xf32>
    %broadcast_in_dim3A_132 = vector.shape_cast %slice3A_130 : vector<1x99xf32> to vector<1x99xf32>
    %broadcast_in_dim3A_133 = vector.broadcast %broadcast_in_dim3A_132 : vector<1x99xf32> to vector<100x99xf32>
    %broadcast_in_dim3A_134 = vector.shape_cast %slice3A_131 : vector<1x99xf32> to vector<1x99xf32>
    %broadcast_in_dim3A_135 = vector.broadcast %broadcast_in_dim3A_134 : vector<1x99xf32> to vector<100x99xf32>
    %select_n3A = arith.select %ge3A, %broadcast_in_dim3A_133, %broadcast_in_dim3A_135 : vector<100x99xi1>, vector<100x99xf32>
    %slice3A_136 = vector.extract_strided_slice %slice3A_9 {offsets = [0, 1], sizes = [1, 99], strides = [1, 1]} : vector<1x110xf32> to vector<1x99xf32>
    %slice3A_137 = vector.extract_strided_slice %slice3A_9 {offsets = [0, 0], sizes = [1, 99], strides = [1, 1]} : vector<1x110xf32> to vector<1x99xf32>
    %broadcast_in_dim3A_138 = vector.shape_cast %slice3A_136 : vector<1x99xf32> to vector<1x99xf32>
    %broadcast_in_dim3A_139 = vector.broadcast %broadcast_in_dim3A_138 : vector<1x99xf32> to vector<100x99xf32>
    %broadcast_in_dim3A_140 = vector.shape_cast %slice3A_137 : vector<1x99xf32> to vector<1x99xf32>
    %broadcast_in_dim3A_141 = vector.broadcast %broadcast_in_dim3A_140 : vector<1x99xf32> to vector<100x99xf32>
    %select_n3A_142 = arith.select %ge3A, %broadcast_in_dim3A_139, %broadcast_in_dim3A_141 : vector<100x99xi1>, vector<100x99xf32>
    %slice3A_143 = vector.extract_strided_slice %slice3A_10 {offsets = [0, 1], sizes = [1, 99], strides = [1, 1]} : vector<1x110xf32> to vector<1x99xf32>
    %slice3A_144 = vector.extract_strided_slice %slice3A_10 {offsets = [0, 0], sizes = [1, 99], strides = [1, 1]} : vector<1x110xf32> to vector<1x99xf32>
    %broadcast_in_dim3A_145 = vector.shape_cast %slice3A_143 : vector<1x99xf32> to vector<1x99xf32>
    %broadcast_in_dim3A_146 = vector.broadcast %broadcast_in_dim3A_145 : vector<1x99xf32> to vector<100x99xf32>
    %broadcast_in_dim3A_147 = vector.shape_cast %slice3A_144 : vector<1x99xf32> to vector<1x99xf32>
    %broadcast_in_dim3A_148 = vector.broadcast %broadcast_in_dim3A_147 : vector<1x99xf32> to vector<100x99xf32>
    %select_n3A_149 = arith.select %ge3A, %broadcast_in_dim3A_146, %broadcast_in_dim3A_148 : vector<100x99xi1>, vector<100x99xf32>
    %slice3A_150 = vector.extract_strided_slice %slice3A_11 {offsets = [0, 1], sizes = [1, 99], strides = [1, 1]} : vector<1x110xf32> to vector<1x99xf32>
    %slice3A_151 = vector.extract_strided_slice %slice3A_11 {offsets = [0, 0], sizes = [1, 99], strides = [1, 1]} : vector<1x110xf32> to vector<1x99xf32>
    %broadcast_in_dim3A_152 = vector.shape_cast %slice3A_150 : vector<1x99xf32> to vector<1x99xf32>
    %broadcast_in_dim3A_153 = vector.broadcast %broadcast_in_dim3A_152 : vector<1x99xf32> to vector<100x99xf32>
    %broadcast_in_dim3A_154 = vector.shape_cast %slice3A_151 : vector<1x99xf32> to vector<1x99xf32>
    %broadcast_in_dim3A_155 = vector.broadcast %broadcast_in_dim3A_154 : vector<1x99xf32> to vector<100x99xf32>
    %select_n3A_156 = arith.select %ge3A, %broadcast_in_dim3A_153, %broadcast_in_dim3A_155 : vector<100x99xi1>, vector<100x99xf32>
    %slice3A_157 = vector.extract_strided_slice %slice3A_12 {offsets = [0, 1], sizes = [1, 99], strides = [1, 1]} : vector<1x110xf32> to vector<1x99xf32>
    %slice3A_158 = vector.extract_strided_slice %slice3A_12 {offsets = [0, 0], sizes = [1, 99], strides = [1, 1]} : vector<1x110xf32> to vector<1x99xf32>
    %broadcast_in_dim3A_159 = vector.shape_cast %slice3A_157 : vector<1x99xf32> to vector<1x99xf32>
    %broadcast_in_dim3A_160 = vector.broadcast %broadcast_in_dim3A_159 : vector<1x99xf32> to vector<100x99xf32>
    %broadcast_in_dim3A_161 = vector.shape_cast %slice3A_158 : vector<1x99xf32> to vector<1x99xf32>
    %broadcast_in_dim3A_162 = vector.broadcast %broadcast_in_dim3A_161 : vector<1x99xf32> to vector<100x99xf32>
    %select_n3A_163 = arith.select %ge3A, %broadcast_in_dim3A_160, %broadcast_in_dim3A_162 : vector<100x99xi1>, vector<100x99xf32>
    %slice3A_164 = vector.extract_strided_slice %slice3A_13 {offsets = [0, 1], sizes = [1, 99], strides = [1, 1]} : vector<1x110xf32> to vector<1x99xf32>
    %slice3A_165 = vector.extract_strided_slice %slice3A_13 {offsets = [0, 0], sizes = [1, 99], strides = [1, 1]} : vector<1x110xf32> to vector<1x99xf32>
    %broadcast_in_dim3A_166 = vector.shape_cast %slice3A_164 : vector<1x99xf32> to vector<1x99xf32>
    %broadcast_in_dim3A_167 = vector.broadcast %broadcast_in_dim3A_166 : vector<1x99xf32> to vector<100x99xf32>
    %broadcast_in_dim3A_168 = vector.shape_cast %slice3A_165 : vector<1x99xf32> to vector<1x99xf32>
    %broadcast_in_dim3A_169 = vector.broadcast %broadcast_in_dim3A_168 : vector<1x99xf32> to vector<100x99xf32>
    %select_n3A_170 = arith.select %ge3A, %broadcast_in_dim3A_167, %broadcast_in_dim3A_169 : vector<100x99xi1>, vector<100x99xf32>
    %slice3A_171 = vector.extract_strided_slice %mul3A_21 {offsets = [0, 1], sizes = [1, 99], strides = [1, 1]} : vector<1x110xf32> to vector<1x99xf32>
    %slice3A_172 = vector.extract_strided_slice %mul3A_21 {offsets = [0, 0], sizes = [1, 99], strides = [1, 1]} : vector<1x110xf32> to vector<1x99xf32>
    %broadcast_in_dim3A_173 = vector.shape_cast %slice3A_171 : vector<1x99xf32> to vector<1x99xf32>
    %broadcast_in_dim3A_174 = vector.broadcast %broadcast_in_dim3A_173 : vector<1x99xf32> to vector<100x99xf32>
    %broadcast_in_dim3A_175 = vector.shape_cast %slice3A_172 : vector<1x99xf32> to vector<1x99xf32>
    %broadcast_in_dim3A_176 = vector.broadcast %broadcast_in_dim3A_175 : vector<1x99xf32> to vector<100x99xf32>
    %select_n3A_177 = arith.select %ge3A, %broadcast_in_dim3A_174, %broadcast_in_dim3A_176 : vector<100x99xi1>, vector<100x99xf32>
    %slice3A_178 = vector.extract_strided_slice %mul3A_22 {offsets = [0, 1], sizes = [1, 99], strides = [1, 1]} : vector<1x110xf32> to vector<1x99xf32>
    %slice3A_179 = vector.extract_strided_slice %mul3A_22 {offsets = [0, 0], sizes = [1, 99], strides = [1, 1]} : vector<1x110xf32> to vector<1x99xf32>
    %broadcast_in_dim3A_180 = vector.shape_cast %slice3A_178 : vector<1x99xf32> to vector<1x99xf32>
    %broadcast_in_dim3A_181 = vector.broadcast %broadcast_in_dim3A_180 : vector<1x99xf32> to vector<100x99xf32>
    %broadcast_in_dim3A_182 = vector.shape_cast %slice3A_179 : vector<1x99xf32> to vector<1x99xf32>
    %broadcast_in_dim3A_183 = vector.broadcast %broadcast_in_dim3A_182 : vector<1x99xf32> to vector<100x99xf32>
    %select_n3A_184 = arith.select %ge3A, %broadcast_in_dim3A_181, %broadcast_in_dim3A_183 : vector<100x99xi1>, vector<100x99xf32>
    %slice3A_185 = vector.extract_strided_slice %sin3A_20 {offsets = [0, 1], sizes = [1, 99], strides = [1, 1]} : vector<1x110xf32> to vector<1x99xf32>
    %slice3A_186 = vector.extract_strided_slice %sin3A_20 {offsets = [0, 0], sizes = [1, 99], strides = [1, 1]} : vector<1x110xf32> to vector<1x99xf32>
    %broadcast_in_dim3A_187 = vector.shape_cast %slice3A_185 : vector<1x99xf32> to vector<1x99xf32>
    %broadcast_in_dim3A_188 = vector.broadcast %broadcast_in_dim3A_187 : vector<1x99xf32> to vector<100x99xf32>
    %broadcast_in_dim3A_189 = vector.shape_cast %slice3A_186 : vector<1x99xf32> to vector<1x99xf32>
    %broadcast_in_dim3A_190 = vector.broadcast %broadcast_in_dim3A_189 : vector<1x99xf32> to vector<100x99xf32>
    %select_n3A_191 = arith.select %ge3A, %broadcast_in_dim3A_188, %broadcast_in_dim3A_190 : vector<100x99xi1>, vector<100x99xf32>
    %slice3A_192 = vector.extract_strided_slice %neg3A_24 {offsets = [0, 1], sizes = [1, 99], strides = [1, 1]} : vector<1x110xf32> to vector<1x99xf32>
    %slice3A_193 = vector.extract_strided_slice %neg3A_24 {offsets = [0, 0], sizes = [1, 99], strides = [1, 1]} : vector<1x110xf32> to vector<1x99xf32>
    %broadcast_in_dim3A_194 = vector.shape_cast %slice3A_192 : vector<1x99xf32> to vector<1x99xf32>
    %broadcast_in_dim3A_195 = vector.broadcast %broadcast_in_dim3A_194 : vector<1x99xf32> to vector<100x99xf32>
    %broadcast_in_dim3A_196 = vector.shape_cast %slice3A_193 : vector<1x99xf32> to vector<1x99xf32>
    %broadcast_in_dim3A_197 = vector.broadcast %broadcast_in_dim3A_196 : vector<1x99xf32> to vector<100x99xf32>
    %select_n3A_198 = arith.select %ge3A, %broadcast_in_dim3A_195, %broadcast_in_dim3A_197 : vector<100x99xi1>, vector<100x99xf32>
    %slice3A_199 = vector.extract_strided_slice %cos3A {offsets = [0, 1], sizes = [1, 99], strides = [1, 1]} : vector<1x110xf32> to vector<1x99xf32>
    %slice3A_200 = vector.extract_strided_slice %cos3A {offsets = [0, 0], sizes = [1, 99], strides = [1, 1]} : vector<1x110xf32> to vector<1x99xf32>
    %broadcast_in_dim3A_201 = vector.shape_cast %slice3A_199 : vector<1x99xf32> to vector<1x99xf32>
    %broadcast_in_dim3A_202 = vector.broadcast %broadcast_in_dim3A_201 : vector<1x99xf32> to vector<100x99xf32>
    %broadcast_in_dim3A_203 = vector.shape_cast %slice3A_200 : vector<1x99xf32> to vector<1x99xf32>
    %broadcast_in_dim3A_204 = vector.broadcast %broadcast_in_dim3A_203 : vector<1x99xf32> to vector<100x99xf32>
    %select_n3A_205 = arith.select %ge3A, %broadcast_in_dim3A_202, %broadcast_in_dim3A_204 : vector<100x99xi1>, vector<100x99xf32>
    %slice3A_206 = vector.extract_strided_slice %mul3A_28 {offsets = [0, 1], sizes = [1, 99], strides = [1, 1]} : vector<1x110xf32> to vector<1x99xf32>
    %slice3A_207 = vector.extract_strided_slice %mul3A_28 {offsets = [0, 0], sizes = [1, 99], strides = [1, 1]} : vector<1x110xf32> to vector<1x99xf32>
    %broadcast_in_dim3A_208 = vector.shape_cast %slice3A_206 : vector<1x99xf32> to vector<1x99xf32>
    %broadcast_in_dim3A_209 = vector.broadcast %broadcast_in_dim3A_208 : vector<1x99xf32> to vector<100x99xf32>
    %broadcast_in_dim3A_210 = vector.shape_cast %slice3A_207 : vector<1x99xf32> to vector<1x99xf32>
    %broadcast_in_dim3A_211 = vector.broadcast %broadcast_in_dim3A_210 : vector<1x99xf32> to vector<100x99xf32>
    %select_n3A_212 = arith.select %ge3A, %broadcast_in_dim3A_209, %broadcast_in_dim3A_211 : vector<100x99xi1>, vector<100x99xf32>
    %slice3A_213 = vector.extract_strided_slice %mul3A_32 {offsets = [0, 1], sizes = [1, 99], strides = [1, 1]} : vector<1x110xf32> to vector<1x99xf32>
    %slice3A_214 = vector.extract_strided_slice %mul3A_32 {offsets = [0, 0], sizes = [1, 99], strides = [1, 1]} : vector<1x110xf32> to vector<1x99xf32>
    %broadcast_in_dim3A_215 = vector.shape_cast %slice3A_213 : vector<1x99xf32> to vector<1x99xf32>
    %broadcast_in_dim3A_216 = vector.broadcast %broadcast_in_dim3A_215 : vector<1x99xf32> to vector<100x99xf32>
    %broadcast_in_dim3A_217 = vector.shape_cast %slice3A_214 : vector<1x99xf32> to vector<1x99xf32>
    %broadcast_in_dim3A_218 = vector.broadcast %broadcast_in_dim3A_217 : vector<1x99xf32> to vector<100x99xf32>
    %select_n3A_219 = arith.select %ge3A, %broadcast_in_dim3A_216, %broadcast_in_dim3A_218 : vector<100x99xi1>, vector<100x99xf32>
    %slice3A_220 = vector.extract_strided_slice %cos3A_19 {offsets = [0, 1], sizes = [1, 99], strides = [1, 1]} : vector<1x110xf32> to vector<1x99xf32>
    %slice3A_221 = vector.extract_strided_slice %cos3A_19 {offsets = [0, 0], sizes = [1, 99], strides = [1, 1]} : vector<1x110xf32> to vector<1x99xf32>
    %broadcast_in_dim3A_222 = vector.shape_cast %slice3A_220 : vector<1x99xf32> to vector<1x99xf32>
    %broadcast_in_dim3A_223 = vector.broadcast %broadcast_in_dim3A_222 : vector<1x99xf32> to vector<100x99xf32>
    %broadcast_in_dim3A_224 = vector.shape_cast %slice3A_221 : vector<1x99xf32> to vector<1x99xf32>
    %broadcast_in_dim3A_225 = vector.broadcast %broadcast_in_dim3A_224 : vector<1x99xf32> to vector<100x99xf32>
    %select_n3A_226 = arith.select %ge3A, %broadcast_in_dim3A_223, %broadcast_in_dim3A_225 : vector<100x99xi1>, vector<100x99xf32>
    %sub3A = vector.broadcast %slice3A_116 : vector<100x1xf32> to vector<100x99xf32>
    %sub3A_227 = arith.subf %sub3A, %select_n3A : vector<100x99xf32>
    %sub3A_228 = vector.broadcast %slice3A_117 : vector<100x1xf32> to vector<100x99xf32>
    %sub3A_229 = arith.subf %sub3A_228, %select_n3A_142 : vector<100x99xf32>
    %sub3A_230 = vector.broadcast %slice3A_118 : vector<100x1xf32> to vector<100x99xf32>
    %sub3A_231 = arith.subf %sub3A_230, %select_n3A_149 : vector<100x99xf32>
    %sub3A_232 = vector.broadcast %slice3A_119 : vector<100x1xf32> to vector<100x99xf32>
    %sub3A_233 = arith.subf %sub3A_232, %select_n3A_156 : vector<100x99xf32>
    %sub3A_234 = vector.broadcast %slice3A_120 : vector<100x1xf32> to vector<100x99xf32>
    %sub3A_235 = arith.subf %sub3A_234, %select_n3A_163 : vector<100x99xf32>
    %sub3A_236 = vector.broadcast %slice3A_121 : vector<100x1xf32> to vector<100x99xf32>
    %sub3A_237 = arith.subf %sub3A_236, %select_n3A_170 : vector<100x99xf32>
    %mul3A_238 = arith.mulf %select_n3A_177, %sub3A_227 : vector<100x99xf32>
    %mul3A_239 = arith.mulf %select_n3A_184, %sub3A_229 : vector<100x99xf32>
    %add3A_240 = arith.addf %mul3A_238, %mul3A_239 : vector<100x99xf32>
    %mul3A_241 = arith.mulf %select_n3A_191, %sub3A_231 : vector<100x99xf32>
    %add3A_242 = arith.addf %add3A_240, %mul3A_241 : vector<100x99xf32>
    %mul3A_243 = arith.mulf %select_n3A_198, %sub3A_227 : vector<100x99xf32>
    %mul3A_244 = arith.mulf %select_n3A_205, %sub3A_229 : vector<100x99xf32>
    %add3A_245 = arith.addf %mul3A_243, %mul3A_244 : vector<100x99xf32>
    %mul3A_246 = arith.mulf %select_n3A_212, %sub3A_227 : vector<100x99xf32>
    %mul3A_247 = arith.mulf %select_n3A_219, %sub3A_229 : vector<100x99xf32>
    %add3A_248 = arith.addf %mul3A_246, %mul3A_247 : vector<100x99xf32>
    %mul3A_249 = arith.mulf %select_n3A_226, %sub3A_231 : vector<100x99xf32>
    %add3A_250 = arith.addf %add3A_248, %mul3A_249 : vector<100x99xf32>
    %mul3A_251 = arith.mulf %select_n3A_177, %sub3A_233 : vector<100x99xf32>
    %mul3A_252 = arith.mulf %select_n3A_184, %sub3A_235 : vector<100x99xf32>
    %add3A_253 = arith.addf %mul3A_251, %mul3A_252 : vector<100x99xf32>
    %mul3A_254 = arith.mulf %select_n3A_191, %sub3A_237 : vector<100x99xf32>
    %add3A_255 = arith.addf %add3A_253, %mul3A_254 : vector<100x99xf32>
    %mul3A_256 = arith.mulf %select_n3A_198, %sub3A_233 : vector<100x99xf32>
    %mul3A_257 = arith.mulf %select_n3A_205, %sub3A_235 : vector<100x99xf32>
    %add3A_258 = arith.addf %mul3A_256, %mul3A_257 : vector<100x99xf32>
    %mul3A_259 = arith.mulf %select_n3A_212, %sub3A_233 : vector<100x99xf32>
    %mul3A_260 = arith.mulf %select_n3A_219, %sub3A_235 : vector<100x99xf32>
    %add3A_261 = arith.addf %mul3A_259, %mul3A_260 : vector<100x99xf32>
    %mul3A_262 = arith.mulf %select_n3A_226, %sub3A_237 : vector<100x99xf32>
    %add3A_263 = arith.addf %add3A_261, %mul3A_262 : vector<100x99xf32>
    %convert_element_type3A_264 = arith.truncf %select_n3A_177 : vector<100x99xf32> to vector<100x99xbf16>
    %convert_element_type3A_265 = arith.extf %convert_element_type3A_264 : vector<100x99xbf16> to vector<100x99xf32>
    %convert_element_type3A_266 = arith.truncf %select_n3A_184 : vector<100x99xf32> to vector<100x99xbf16>
    %convert_element_type3A_267 = arith.extf %convert_element_type3A_266 : vector<100x99xbf16> to vector<100x99xf32>
    %convert_element_type3A_268 = arith.truncf %select_n3A_191 : vector<100x99xf32> to vector<100x99xbf16>
    %convert_element_type3A_269 = arith.extf %convert_element_type3A_268 : vector<100x99xbf16> to vector<100x99xf32>
    %convert_element_type3A_270 = arith.truncf %select_n3A_198 : vector<100x99xf32> to vector<100x99xbf16>
    %convert_element_type3A_271 = arith.extf %convert_element_type3A_270 : vector<100x99xbf16> to vector<100x99xf32>
    %convert_element_type3A_272 = arith.truncf %select_n3A_205 : vector<100x99xf32> to vector<100x99xbf16>
    %convert_element_type3A_273 = arith.extf %convert_element_type3A_272 : vector<100x99xbf16> to vector<100x99xf32>
    %convert_element_type3A_274 = arith.truncf %select_n3A_212 : vector<100x99xf32> to vector<100x99xbf16>
    %convert_element_type3A_275 = arith.extf %convert_element_type3A_274 : vector<100x99xbf16> to vector<100x99xf32>
    %convert_element_type3A_276 = arith.truncf %select_n3A_219 : vector<100x99xf32> to vector<100x99xbf16>
    %convert_element_type3A_277 = arith.extf %convert_element_type3A_276 : vector<100x99xbf16> to vector<100x99xf32>
    %convert_element_type3A_278 = arith.truncf %select_n3A_226 : vector<100x99xf32> to vector<100x99xbf16>
    %convert_element_type3A_279 = arith.extf %convert_element_type3A_278 : vector<100x99xbf16> to vector<100x99xf32>
    %convert_element_type3A_280 = arith.truncf %slice3A_122 : vector<100x1xf32> to vector<100x1xbf16>
    %convert_element_type3A_281 = arith.extf %convert_element_type3A_280 : vector<100x1xbf16> to vector<100x1xf32>
    %convert_element_type3A_282 = arith.truncf %slice3A_123 : vector<100x1xf32> to vector<100x1xbf16>
    %convert_element_type3A_283 = arith.extf %convert_element_type3A_282 : vector<100x1xbf16> to vector<100x1xf32>
    %convert_element_type3A_284 = arith.truncf %slice3A_124 : vector<100x1xf32> to vector<100x1xbf16>
    %convert_element_type3A_285 = arith.extf %convert_element_type3A_284 : vector<100x1xbf16> to vector<100x1xf32>
    %convert_element_type3A_286 = arith.truncf %slice3A_125 : vector<100x1xf32> to vector<100x1xbf16>
    %convert_element_type3A_287 = arith.extf %convert_element_type3A_286 : vector<100x1xbf16> to vector<100x1xf32>
    %convert_element_type3A_288 = arith.truncf %slice3A_126 : vector<100x1xf32> to vector<100x1xbf16>
    %convert_element_type3A_289 = arith.extf %convert_element_type3A_288 : vector<100x1xbf16> to vector<100x1xf32>
    %convert_element_type3A_290 = arith.truncf %slice3A_127 : vector<100x1xf32> to vector<100x1xbf16>
    %convert_element_type3A_291 = arith.extf %convert_element_type3A_290 : vector<100x1xbf16> to vector<100x1xf32>
    %convert_element_type3A_292 = arith.truncf %slice3A_128 : vector<100x1xf32> to vector<100x1xbf16>
    %convert_element_type3A_293 = arith.extf %convert_element_type3A_292 : vector<100x1xbf16> to vector<100x1xf32>
    %convert_element_type3A_294 = arith.truncf %slice3A_129 : vector<100x1xf32> to vector<100x1xbf16>
    %convert_element_type3A_295 = arith.extf %convert_element_type3A_294 : vector<100x1xbf16> to vector<100x1xf32>
    %mul3A_296 = vector.broadcast %convert_element_type3A_281 : vector<100x1xf32> to vector<100x99xf32>
    %mul3A_297 = arith.mulf %convert_element_type3A_265, %mul3A_296 : vector<100x99xf32>
    %mul3A_298 = vector.broadcast %convert_element_type3A_283 : vector<100x1xf32> to vector<100x99xf32>
    %mul3A_299 = arith.mulf %convert_element_type3A_267, %mul3A_298 : vector<100x99xf32>
    %add3A_300 = arith.addf %mul3A_297, %mul3A_299 : vector<100x99xf32>
    %mul3A_301 = vector.broadcast %convert_element_type3A_285 : vector<100x1xf32> to vector<100x99xf32>
    %mul3A_302 = arith.mulf %convert_element_type3A_269, %mul3A_301 : vector<100x99xf32>
    %add3A_303 = arith.addf %add3A_300, %mul3A_302 : vector<100x99xf32>
    %mul3A_304 = vector.broadcast %convert_element_type3A_281 : vector<100x1xf32> to vector<100x99xf32>
    %mul3A_305 = arith.mulf %convert_element_type3A_271, %mul3A_304 : vector<100x99xf32>
    %mul3A_306 = vector.broadcast %convert_element_type3A_283 : vector<100x1xf32> to vector<100x99xf32>
    %mul3A_307 = arith.mulf %convert_element_type3A_273, %mul3A_306 : vector<100x99xf32>
    %add3A_308 = arith.addf %mul3A_305, %mul3A_307 : vector<100x99xf32>
    %mul3A_309 = vector.broadcast %convert_element_type3A_281 : vector<100x1xf32> to vector<100x99xf32>
    %mul3A_310 = arith.mulf %convert_element_type3A_275, %mul3A_309 : vector<100x99xf32>
    %mul3A_311 = vector.broadcast %convert_element_type3A_283 : vector<100x1xf32> to vector<100x99xf32>
    %mul3A_312 = arith.mulf %convert_element_type3A_277, %mul3A_311 : vector<100x99xf32>
    %add3A_313 = arith.addf %mul3A_310, %mul3A_312 : vector<100x99xf32>
    %mul3A_314 = vector.broadcast %convert_element_type3A_285 : vector<100x1xf32> to vector<100x99xf32>
    %mul3A_315 = arith.mulf %convert_element_type3A_279, %mul3A_314 : vector<100x99xf32>
    %add3A_316 = arith.addf %add3A_313, %mul3A_315 : vector<100x99xf32>
    %mul3A_317 = vector.broadcast %convert_element_type3A_287 : vector<100x1xf32> to vector<100x99xf32>
    %mul3A_318 = arith.mulf %convert_element_type3A_275, %mul3A_317 : vector<100x99xf32>
    %mul3A_319 = vector.broadcast %convert_element_type3A_289 : vector<100x1xf32> to vector<100x99xf32>
    %mul3A_320 = arith.mulf %convert_element_type3A_277, %mul3A_319 : vector<100x99xf32>
    %add3A_321 = arith.addf %mul3A_318, %mul3A_320 : vector<100x99xf32>
    %mul3A_322 = vector.broadcast %convert_element_type3A_291 : vector<100x1xf32> to vector<100x99xf32>
    %mul3A_323 = arith.mulf %convert_element_type3A_275, %mul3A_322 : vector<100x99xf32>
    %mul3A_324 = vector.broadcast %convert_element_type3A_293 : vector<100x1xf32> to vector<100x99xf32>
    %mul3A_325 = arith.mulf %convert_element_type3A_277, %mul3A_324 : vector<100x99xf32>
    %add3A_326 = arith.addf %mul3A_323, %mul3A_325 : vector<100x99xf32>
    %mul3A_327 = vector.broadcast %convert_element_type3A_295 : vector<100x1xf32> to vector<100x99xf32>
    %mul3A_328 = arith.mulf %convert_element_type3A_279, %mul3A_327 : vector<100x99xf32>
    %add3A_329 = arith.addf %add3A_326, %mul3A_328 : vector<100x99xf32>
    %abs3A = math.absf %add3A_329 : vector<100x99xf32>
    %abs3A_330 = math.absf %add3A_321 : vector<100x99xf32>
    %max3A = arith.maximumf %abs3A, %abs3A_330 : vector<100x99xf32>
    %min3A = arith.minimumf %abs3A, %abs3A_330 : vector<100x99xf32>
    %div3A = arith.divf %min3A, %max3A : vector<100x99xf32>
    %mul3A_331 = arith.mulf %div3A, %div3A : vector<100x99xf32>
    %mul3A_332 = arith.constant -0.00180449022 : f32
    %mul3A_333 = vector.broadcast %mul3A_332 : f32 to vector<100x99xf32>
    %mul3A_334 = arith.mulf %mul3A_333, %mul3A_331 : vector<100x99xf32>
    %add3A_335 = arith.constant 0.0109624434 : f32
    %add3A_336 = vector.broadcast %add3A_335 : f32 to vector<100x99xf32>
    %add3A_337 = arith.addf %mul3A_334, %add3A_336 : vector<100x99xf32>
    %mul3A_338 = arith.mulf %add3A_337, %mul3A_331 : vector<100x99xf32>
    %add3A_339 = arith.constant -0.0312645063 : f32
    %add3A_340 = vector.broadcast %add3A_339 : f32 to vector<100x99xf32>
    %add3A_341 = arith.addf %mul3A_338, %add3A_340 : vector<100x99xf32>
    %mul3A_342 = arith.mulf %add3A_341, %mul3A_331 : vector<100x99xf32>
    %add3A_343 = arith.constant 0.0580404513 : f32
    %add3A_344 = vector.broadcast %add3A_343 : f32 to vector<100x99xf32>
    %add3A_345 = arith.addf %mul3A_342, %add3A_344 : vector<100x99xf32>
    %mul3A_346 = arith.mulf %add3A_345, %mul3A_331 : vector<100x99xf32>
    %add3A_347 = arith.constant -0.0840787888 : f32
    %add3A_348 = vector.broadcast %add3A_347 : f32 to vector<100x99xf32>
    %add3A_349 = arith.addf %mul3A_346, %add3A_348 : vector<100x99xf32>
    %mul3A_350 = arith.mulf %add3A_349, %mul3A_331 : vector<100x99xf32>
    %add3A_351 = arith.constant 0.109534502 : f32
    %add3A_352 = vector.broadcast %add3A_351 : f32 to vector<100x99xf32>
    %add3A_353 = arith.addf %mul3A_350, %add3A_352 : vector<100x99xf32>
    %mul3A_354 = arith.mulf %add3A_353, %mul3A_331 : vector<100x99xf32>
    %add3A_355 = arith.constant -0.142643899 : f32
    %add3A_356 = vector.broadcast %add3A_355 : f32 to vector<100x99xf32>
    %add3A_357 = arith.addf %mul3A_354, %add3A_356 : vector<100x99xf32>
    %mul3A_358 = arith.mulf %add3A_357, %mul3A_331 : vector<100x99xf32>
    %add3A_359 = arith.constant 0.19998543 : f32
    %add3A_360 = vector.broadcast %add3A_359 : f32 to vector<100x99xf32>
    %add3A_361 = arith.addf %mul3A_358, %add3A_360 : vector<100x99xf32>
    %mul3A_362 = arith.mulf %add3A_361, %mul3A_331 : vector<100x99xf32>
    %add3A_363 = arith.constant -0.333332956 : f32
    %add3A_364 = vector.broadcast %add3A_363 : f32 to vector<100x99xf32>
    %add3A_365 = arith.addf %mul3A_362, %add3A_364 : vector<100x99xf32>
    %mul3A_366 = arith.mulf %add3A_365, %mul3A_331 : vector<100x99xf32>
    %add3A_367 = arith.constant 1.000000e+00 : f32
    %add3A_368 = vector.broadcast %add3A_367 : f32 to vector<100x99xf32>
    %add3A_369 = arith.addf %mul3A_366, %add3A_368 : vector<100x99xf32>
    %mul3A_370 = arith.mulf %div3A, %add3A_369 : vector<100x99xf32>
    %gt3A = arith.cmpf ogt, %abs3A_330, %abs3A : vector<100x99xf32>
    %sub3A_371 = arith.constant 1.57079637 : f32
    %sub3A_372 = vector.broadcast %sub3A_371 : f32 to vector<100x99xf32>
    %sub3A_373 = arith.subf %sub3A_372, %mul3A_370 : vector<100x99xf32>
    %select_n3A_374 = arith.select %gt3A, %sub3A_373, %mul3A_370 : vector<100x99xi1>, vector<100x99xf32>
    %lt3A = arith.constant 0.000000e+00 : f32
    %lt3A_375 = vector.broadcast %lt3A : f32 to vector<100x99xf32>
    %lt3A_376 = arith.cmpf olt, %add3A_329, %lt3A_375 : vector<100x99xf32>
    %sub3A_377 = arith.constant 3.14159274 : f32
    %sub3A_378 = vector.broadcast %sub3A_377 : f32 to vector<100x99xf32>
    %sub3A_379 = arith.subf %sub3A_378, %select_n3A_374 : vector<100x99xf32>
    %select_n3A_380 = arith.select %lt3A_376, %sub3A_379, %select_n3A_374 : vector<100x99xi1>, vector<100x99xf32>
    %eq3A_381 = arith.constant 0.000000e+00 : f32
    %eq3A_382 = vector.broadcast %eq3A_381 : f32 to vector<100x99xf32>
    %eq3A_383 = arith.cmpf oeq, %max3A, %eq3A_382 : vector<100x99xf32>
    %jit3A = arith.constant 0.000000e+00 : f32
    %broadcast_in_dim3A_384 = vector.broadcast %jit3A : f32 to vector<100x99xf32>
    %select_n3A_385 = arith.select %eq3A_383, %broadcast_in_dim3A_384, %select_n3A_380 : vector<100x99xi1>, vector<100x99xf32>
    %bitcast_convert_type3A = tpu.bitcast %select_n3A_385 : vector<100x99xf32> -> vector<100x99xi32>
    %bitcast_convert_type3A_386 = tpu.bitcast %add3A_321 : vector<100x99xf32> -> vector<100x99xi32>
    %and3A = arith.constant -2147483648 : i32
    %and3A_387 = vector.broadcast %and3A : i32 to vector<100x99xi32>
    %and3A_388 = arith.andi %bitcast_convert_type3A_386, %and3A_387 : vector<100x99xi32>
    %or3A = arith.ori %bitcast_convert_type3A, %and3A_388 : vector<100x99xi32>
    %bitcast_convert_type3A_389 = tpu.bitcast %or3A : vector<100x99xi32> -> vector<100x99xf32>
    %neg3A_390 = arith.constant 0.000000e+00 : f32
    %neg3A_391 = vector.broadcast %neg3A_390 : f32 to vector<100x99xf32>
    %neg3A_392 = arith.subf %neg3A_391, %add3A_316 : vector<100x99xf32>
    %mul3A_393 = arith.mulf %add3A_321, %add3A_321 : vector<100x99xf32>
    %mul3A_394 = arith.mulf %add3A_329, %add3A_329 : vector<100x99xf32>
    %add3A_395 = arith.addf %mul3A_393, %mul3A_394 : vector<100x99xf32>
    %sqrt3A_396 = math.sqrt %add3A_395 : vector<100x99xf32>
    %add3A_397 = arith.constant 9.99999996E-13 : f32
    %add3A_398 = vector.broadcast %add3A_397 : f32 to vector<100x99xf32>
    %add3A_399 = arith.addf %sqrt3A_396, %add3A_398 : vector<100x99xf32>
    %abs3A_400 = math.absf %add3A_399 : vector<100x99xf32>
    %abs3A_401 = math.absf %neg3A_392 : vector<100x99xf32>
    %max3A_402 = arith.maximumf %abs3A_400, %abs3A_401 : vector<100x99xf32>
    %min3A_403 = arith.minimumf %abs3A_400, %abs3A_401 : vector<100x99xf32>
    %div3A_404 = arith.divf %min3A_403, %max3A_402 : vector<100x99xf32>
    %mul3A_405 = arith.mulf %div3A_404, %div3A_404 : vector<100x99xf32>
    %mul3A_406 = arith.constant -0.00180449022 : f32
    %mul3A_407 = vector.broadcast %mul3A_406 : f32 to vector<100x99xf32>
    %mul3A_408 = arith.mulf %mul3A_407, %mul3A_405 : vector<100x99xf32>
    %add3A_409 = arith.constant 0.0109624434 : f32
    %add3A_410 = vector.broadcast %add3A_409 : f32 to vector<100x99xf32>
    %add3A_411 = arith.addf %mul3A_408, %add3A_410 : vector<100x99xf32>
    %mul3A_412 = arith.mulf %add3A_411, %mul3A_405 : vector<100x99xf32>
    %add3A_413 = arith.constant -0.0312645063 : f32
    %add3A_414 = vector.broadcast %add3A_413 : f32 to vector<100x99xf32>
    %add3A_415 = arith.addf %mul3A_412, %add3A_414 : vector<100x99xf32>
    %mul3A_416 = arith.mulf %add3A_415, %mul3A_405 : vector<100x99xf32>
    %add3A_417 = arith.constant 0.0580404513 : f32
    %add3A_418 = vector.broadcast %add3A_417 : f32 to vector<100x99xf32>
    %add3A_419 = arith.addf %mul3A_416, %add3A_418 : vector<100x99xf32>
    %mul3A_420 = arith.mulf %add3A_419, %mul3A_405 : vector<100x99xf32>
    %add3A_421 = arith.constant -0.0840787888 : f32
    %add3A_422 = vector.broadcast %add3A_421 : f32 to vector<100x99xf32>
    %add3A_423 = arith.addf %mul3A_420, %add3A_422 : vector<100x99xf32>
    %mul3A_424 = arith.mulf %add3A_423, %mul3A_405 : vector<100x99xf32>
    %add3A_425 = arith.constant 0.109534502 : f32
    %add3A_426 = vector.broadcast %add3A_425 : f32 to vector<100x99xf32>
    %add3A_427 = arith.addf %mul3A_424, %add3A_426 : vector<100x99xf32>
    %mul3A_428 = arith.mulf %add3A_427, %mul3A_405 : vector<100x99xf32>
    %add3A_429 = arith.constant -0.142643899 : f32
    %add3A_430 = vector.broadcast %add3A_429 : f32 to vector<100x99xf32>
    %add3A_431 = arith.addf %mul3A_428, %add3A_430 : vector<100x99xf32>
    %mul3A_432 = arith.mulf %add3A_431, %mul3A_405 : vector<100x99xf32>
    %add3A_433 = arith.constant 0.19998543 : f32
    %add3A_434 = vector.broadcast %add3A_433 : f32 to vector<100x99xf32>
    %add3A_435 = arith.addf %mul3A_432, %add3A_434 : vector<100x99xf32>
    %mul3A_436 = arith.mulf %add3A_435, %mul3A_405 : vector<100x99xf32>
    %add3A_437 = arith.constant -0.333332956 : f32
    %add3A_438 = vector.broadcast %add3A_437 : f32 to vector<100x99xf32>
    %add3A_439 = arith.addf %mul3A_436, %add3A_438 : vector<100x99xf32>
    %mul3A_440 = arith.mulf %add3A_439, %mul3A_405 : vector<100x99xf32>
    %add3A_441 = arith.constant 1.000000e+00 : f32
    %add3A_442 = vector.broadcast %add3A_441 : f32 to vector<100x99xf32>
    %add3A_443 = arith.addf %mul3A_440, %add3A_442 : vector<100x99xf32>
    %mul3A_444 = arith.mulf %div3A_404, %add3A_443 : vector<100x99xf32>
    %gt3A_445 = arith.cmpf ogt, %abs3A_401, %abs3A_400 : vector<100x99xf32>
    %sub3A_446 = arith.constant 1.57079637 : f32
    %sub3A_447 = vector.broadcast %sub3A_446 : f32 to vector<100x99xf32>
    %sub3A_448 = arith.subf %sub3A_447, %mul3A_444 : vector<100x99xf32>
    %select_n3A_449 = arith.select %gt3A_445, %sub3A_448, %mul3A_444 : vector<100x99xi1>, vector<100x99xf32>
    %lt3A_450 = arith.constant 0.000000e+00 : f32
    %lt3A_451 = vector.broadcast %lt3A_450 : f32 to vector<100x99xf32>
    %lt3A_452 = arith.cmpf olt, %add3A_399, %lt3A_451 : vector<100x99xf32>
    %sub3A_453 = arith.constant 3.14159274 : f32
    %sub3A_454 = vector.broadcast %sub3A_453 : f32 to vector<100x99xf32>
    %sub3A_455 = arith.subf %sub3A_454, %select_n3A_449 : vector<100x99xf32>
    %select_n3A_456 = arith.select %lt3A_452, %sub3A_455, %select_n3A_449 : vector<100x99xi1>, vector<100x99xf32>
    %eq3A_457 = arith.constant 0.000000e+00 : f32
    %eq3A_458 = vector.broadcast %eq3A_457 : f32 to vector<100x99xf32>
    %eq3A_459 = arith.cmpf oeq, %max3A_402, %eq3A_458 : vector<100x99xf32>
    %jit3A_460 = arith.constant 0.000000e+00 : f32
    %broadcast_in_dim3A_461 = vector.broadcast %jit3A_460 : f32 to vector<100x99xf32>
    %select_n3A_462 = arith.select %eq3A_459, %broadcast_in_dim3A_461, %select_n3A_456 : vector<100x99xi1>, vector<100x99xf32>
    %bitcast_convert_type3A_463 = tpu.bitcast %select_n3A_462 : vector<100x99xf32> -> vector<100x99xi32>
    %bitcast_convert_type3A_464 = tpu.bitcast %neg3A_392 : vector<100x99xf32> -> vector<100x99xi32>
    %and3A_465 = arith.constant -2147483648 : i32
    %and3A_466 = vector.broadcast %and3A_465 : i32 to vector<100x99xi32>
    %and3A_467 = arith.andi %bitcast_convert_type3A_464, %and3A_466 : vector<100x99xi32>
    %or3A_468 = arith.ori %bitcast_convert_type3A_463, %and3A_467 : vector<100x99xi32>
    %bitcast_convert_type3A_469 = tpu.bitcast %or3A_468 : vector<100x99xi32> -> vector<100x99xf32>
    %abs3A_470 = math.absf %add3A_303 : vector<100x99xf32>
    %abs3A_471 = math.absf %add3A_308 : vector<100x99xf32>
    %max3A_472 = arith.maximumf %abs3A_470, %abs3A_471 : vector<100x99xf32>
    %min3A_473 = arith.minimumf %abs3A_470, %abs3A_471 : vector<100x99xf32>
    %div3A_474 = arith.divf %min3A_473, %max3A_472 : vector<100x99xf32>
    %mul3A_475 = arith.mulf %div3A_474, %div3A_474 : vector<100x99xf32>
    %mul3A_476 = arith.constant -0.00180449022 : f32
    %mul3A_477 = vector.broadcast %mul3A_476 : f32 to vector<100x99xf32>
    %mul3A_478 = arith.mulf %mul3A_477, %mul3A_475 : vector<100x99xf32>
    %add3A_479 = arith.constant 0.0109624434 : f32
    %add3A_480 = vector.broadcast %add3A_479 : f32 to vector<100x99xf32>
    %add3A_481 = arith.addf %mul3A_478, %add3A_480 : vector<100x99xf32>
    %mul3A_482 = arith.mulf %add3A_481, %mul3A_475 : vector<100x99xf32>
    %add3A_483 = arith.constant -0.0312645063 : f32
    %add3A_484 = vector.broadcast %add3A_483 : f32 to vector<100x99xf32>
    %add3A_485 = arith.addf %mul3A_482, %add3A_484 : vector<100x99xf32>
    %mul3A_486 = arith.mulf %add3A_485, %mul3A_475 : vector<100x99xf32>
    %add3A_487 = arith.constant 0.0580404513 : f32
    %add3A_488 = vector.broadcast %add3A_487 : f32 to vector<100x99xf32>
    %add3A_489 = arith.addf %mul3A_486, %add3A_488 : vector<100x99xf32>
    %mul3A_490 = arith.mulf %add3A_489, %mul3A_475 : vector<100x99xf32>
    %add3A_491 = arith.constant -0.0840787888 : f32
    %add3A_492 = vector.broadcast %add3A_491 : f32 to vector<100x99xf32>
    %add3A_493 = arith.addf %mul3A_490, %add3A_492 : vector<100x99xf32>
    %mul3A_494 = arith.mulf %add3A_493, %mul3A_475 : vector<100x99xf32>
    %add3A_495 = arith.constant 0.109534502 : f32
    %add3A_496 = vector.broadcast %add3A_495 : f32 to vector<100x99xf32>
    %add3A_497 = arith.addf %mul3A_494, %add3A_496 : vector<100x99xf32>
    %mul3A_498 = arith.mulf %add3A_497, %mul3A_475 : vector<100x99xf32>
    %add3A_499 = arith.constant -0.142643899 : f32
    %add3A_500 = vector.broadcast %add3A_499 : f32 to vector<100x99xf32>
    %add3A_501 = arith.addf %mul3A_498, %add3A_500 : vector<100x99xf32>
    %mul3A_502 = arith.mulf %add3A_501, %mul3A_475 : vector<100x99xf32>
    %add3A_503 = arith.constant 0.19998543 : f32
    %add3A_504 = vector.broadcast %add3A_503 : f32 to vector<100x99xf32>
    %add3A_505 = arith.addf %mul3A_502, %add3A_504 : vector<100x99xf32>
    %mul3A_506 = arith.mulf %add3A_505, %mul3A_475 : vector<100x99xf32>
    %add3A_507 = arith.constant -0.333332956 : f32
    %add3A_508 = vector.broadcast %add3A_507 : f32 to vector<100x99xf32>
    %add3A_509 = arith.addf %mul3A_506, %add3A_508 : vector<100x99xf32>
    %mul3A_510 = arith.mulf %add3A_509, %mul3A_475 : vector<100x99xf32>
    %add3A_511 = arith.constant 1.000000e+00 : f32
    %add3A_512 = vector.broadcast %add3A_511 : f32 to vector<100x99xf32>
    %add3A_513 = arith.addf %mul3A_510, %add3A_512 : vector<100x99xf32>
    %mul3A_514 = arith.mulf %div3A_474, %add3A_513 : vector<100x99xf32>
    %gt3A_515 = arith.cmpf ogt, %abs3A_471, %abs3A_470 : vector<100x99xf32>
    %sub3A_516 = arith.constant 1.57079637 : f32
    %sub3A_517 = vector.broadcast %sub3A_516 : f32 to vector<100x99xf32>
    %sub3A_518 = arith.subf %sub3A_517, %mul3A_514 : vector<100x99xf32>
    %select_n3A_519 = arith.select %gt3A_515, %sub3A_518, %mul3A_514 : vector<100x99xi1>, vector<100x99xf32>
    %lt3A_520 = arith.constant 0.000000e+00 : f32
    %lt3A_521 = vector.broadcast %lt3A_520 : f32 to vector<100x99xf32>
    %lt3A_522 = arith.cmpf olt, %add3A_303, %lt3A_521 : vector<100x99xf32>
    %sub3A_523 = arith.constant 3.14159274 : f32
    %sub3A_524 = vector.broadcast %sub3A_523 : f32 to vector<100x99xf32>
    %sub3A_525 = arith.subf %sub3A_524, %select_n3A_519 : vector<100x99xf32>
    %select_n3A_526 = arith.select %lt3A_522, %sub3A_525, %select_n3A_519 : vector<100x99xi1>, vector<100x99xf32>
    %eq3A_527 = arith.constant 0.000000e+00 : f32
    %eq3A_528 = vector.broadcast %eq3A_527 : f32 to vector<100x99xf32>
    %eq3A_529 = arith.cmpf oeq, %max3A_472, %eq3A_528 : vector<100x99xf32>
    %jit3A_530 = arith.constant 0.000000e+00 : f32
    %broadcast_in_dim3A_531 = vector.broadcast %jit3A_530 : f32 to vector<100x99xf32>
    %select_n3A_532 = arith.select %eq3A_529, %broadcast_in_dim3A_531, %select_n3A_526 : vector<100x99xi1>, vector<100x99xf32>
    %bitcast_convert_type3A_533 = tpu.bitcast %select_n3A_532 : vector<100x99xf32> -> vector<100x99xi32>
    %bitcast_convert_type3A_534 = tpu.bitcast %add3A_308 : vector<100x99xf32> -> vector<100x99xi32>
    %and3A_535 = arith.constant -2147483648 : i32
    %and3A_536 = vector.broadcast %and3A_535 : i32 to vector<100x99xi32>
    %and3A_537 = arith.andi %bitcast_convert_type3A_534, %and3A_536 : vector<100x99xi32>
    %or3A_538 = arith.ori %bitcast_convert_type3A_533, %and3A_537 : vector<100x99xi32>
    %bitcast_convert_type3A_539 = tpu.bitcast %or3A_538 : vector<100x99xi32> -> vector<100x99xf32>
    %mul3A_540 = arith.mulf %add3A_242, %add3A_242 : vector<100x99xf32>
    %mul3A_541 = arith.mulf %add3A_245, %add3A_245 : vector<100x99xf32>
    %add3A_542 = arith.addf %mul3A_540, %mul3A_541 : vector<100x99xf32>
    %mul3A_543 = arith.mulf %add3A_250, %add3A_250 : vector<100x99xf32>
    %add3A_544 = arith.addf %add3A_542, %mul3A_543 : vector<100x99xf32>
    %add3A_545 = arith.constant 9.99999996E-13 : f32
    %add3A_546 = vector.broadcast %add3A_545 : f32 to vector<100x99xf32>
    %add3A_547 = arith.addf %add3A_544, %add3A_546 : vector<100x99xf32>
    %sqrt3A_548 = math.sqrt %add3A_547 : vector<100x99xf32>
    %abs3A_549 = math.absf %add3A_242 : vector<100x99xf32>
    %abs3A_550 = math.absf %add3A_245 : vector<100x99xf32>
    %max3A_551 = arith.maximumf %abs3A_549, %abs3A_550 : vector<100x99xf32>
    %min3A_552 = arith.minimumf %abs3A_549, %abs3A_550 : vector<100x99xf32>
    %div3A_553 = arith.divf %min3A_552, %max3A_551 : vector<100x99xf32>
    %mul3A_554 = arith.mulf %div3A_553, %div3A_553 : vector<100x99xf32>
    %mul3A_555 = arith.constant -0.00180449022 : f32
    %mul3A_556 = vector.broadcast %mul3A_555 : f32 to vector<100x99xf32>
    %mul3A_557 = arith.mulf %mul3A_556, %mul3A_554 : vector<100x99xf32>
    %add3A_558 = arith.constant 0.0109624434 : f32
    %add3A_559 = vector.broadcast %add3A_558 : f32 to vector<100x99xf32>
    %add3A_560 = arith.addf %mul3A_557, %add3A_559 : vector<100x99xf32>
    %mul3A_561 = arith.mulf %add3A_560, %mul3A_554 : vector<100x99xf32>
    %add3A_562 = arith.constant -0.0312645063 : f32
    %add3A_563 = vector.broadcast %add3A_562 : f32 to vector<100x99xf32>
    %add3A_564 = arith.addf %mul3A_561, %add3A_563 : vector<100x99xf32>
    %mul3A_565 = arith.mulf %add3A_564, %mul3A_554 : vector<100x99xf32>
    %add3A_566 = arith.constant 0.0580404513 : f32
    %add3A_567 = vector.broadcast %add3A_566 : f32 to vector<100x99xf32>
    %add3A_568 = arith.addf %mul3A_565, %add3A_567 : vector<100x99xf32>
    %mul3A_569 = arith.mulf %add3A_568, %mul3A_554 : vector<100x99xf32>
    %add3A_570 = arith.constant -0.0840787888 : f32
    %add3A_571 = vector.broadcast %add3A_570 : f32 to vector<100x99xf32>
    %add3A_572 = arith.addf %mul3A_569, %add3A_571 : vector<100x99xf32>
    %mul3A_573 = arith.mulf %add3A_572, %mul3A_554 : vector<100x99xf32>
    %add3A_574 = arith.constant 0.109534502 : f32
    %add3A_575 = vector.broadcast %add3A_574 : f32 to vector<100x99xf32>
    %add3A_576 = arith.addf %mul3A_573, %add3A_575 : vector<100x99xf32>
    %mul3A_577 = arith.mulf %add3A_576, %mul3A_554 : vector<100x99xf32>
    %add3A_578 = arith.constant -0.142643899 : f32
    %add3A_579 = vector.broadcast %add3A_578 : f32 to vector<100x99xf32>
    %add3A_580 = arith.addf %mul3A_577, %add3A_579 : vector<100x99xf32>
    %mul3A_581 = arith.mulf %add3A_580, %mul3A_554 : vector<100x99xf32>
    %add3A_582 = arith.constant 0.19998543 : f32
    %add3A_583 = vector.broadcast %add3A_582 : f32 to vector<100x99xf32>
    %add3A_584 = arith.addf %mul3A_581, %add3A_583 : vector<100x99xf32>
    %mul3A_585 = arith.mulf %add3A_584, %mul3A_554 : vector<100x99xf32>
    %add3A_586 = arith.constant -0.333332956 : f32
    %add3A_587 = vector.broadcast %add3A_586 : f32 to vector<100x99xf32>
    %add3A_588 = arith.addf %mul3A_585, %add3A_587 : vector<100x99xf32>
    %mul3A_589 = arith.mulf %add3A_588, %mul3A_554 : vector<100x99xf32>
    %add3A_590 = arith.constant 1.000000e+00 : f32
    %add3A_591 = vector.broadcast %add3A_590 : f32 to vector<100x99xf32>
    %add3A_592 = arith.addf %mul3A_589, %add3A_591 : vector<100x99xf32>
    %mul3A_593 = arith.mulf %div3A_553, %add3A_592 : vector<100x99xf32>
    %gt3A_594 = arith.cmpf ogt, %abs3A_550, %abs3A_549 : vector<100x99xf32>
    %sub3A_595 = arith.constant 1.57079637 : f32
    %sub3A_596 = vector.broadcast %sub3A_595 : f32 to vector<100x99xf32>
    %sub3A_597 = arith.subf %sub3A_596, %mul3A_593 : vector<100x99xf32>
    %select_n3A_598 = arith.select %gt3A_594, %sub3A_597, %mul3A_593 : vector<100x99xi1>, vector<100x99xf32>
    %lt3A_599 = arith.constant 0.000000e+00 : f32
    %lt3A_600 = vector.broadcast %lt3A_599 : f32 to vector<100x99xf32>
    %lt3A_601 = arith.cmpf olt, %add3A_242, %lt3A_600 : vector<100x99xf32>
    %sub3A_602 = arith.constant 3.14159274 : f32
    %sub3A_603 = vector.broadcast %sub3A_602 : f32 to vector<100x99xf32>
    %sub3A_604 = arith.subf %sub3A_603, %select_n3A_598 : vector<100x99xf32>
    %select_n3A_605 = arith.select %lt3A_601, %sub3A_604, %select_n3A_598 : vector<100x99xi1>, vector<100x99xf32>
    %eq3A_606 = arith.constant 0.000000e+00 : f32
    %eq3A_607 = vector.broadcast %eq3A_606 : f32 to vector<100x99xf32>
    %eq3A_608 = arith.cmpf oeq, %max3A_551, %eq3A_607 : vector<100x99xf32>
    %jit3A_609 = arith.constant 0.000000e+00 : f32
    %broadcast_in_dim3A_610 = vector.broadcast %jit3A_609 : f32 to vector<100x99xf32>
    %select_n3A_611 = arith.select %eq3A_608, %broadcast_in_dim3A_610, %select_n3A_605 : vector<100x99xi1>, vector<100x99xf32>
    %bitcast_convert_type3A_612 = tpu.bitcast %select_n3A_611 : vector<100x99xf32> -> vector<100x99xi32>
    %bitcast_convert_type3A_613 = tpu.bitcast %add3A_245 : vector<100x99xf32> -> vector<100x99xi32>
    %and3A_614 = arith.constant -2147483648 : i32
    %and3A_615 = vector.broadcast %and3A_614 : i32 to vector<100x99xi32>
    %and3A_616 = arith.andi %bitcast_convert_type3A_613, %and3A_615 : vector<100x99xi32>
    %or3A_617 = arith.ori %bitcast_convert_type3A_612, %and3A_616 : vector<100x99xi32>
    %bitcast_convert_type3A_618 = tpu.bitcast %or3A_617 : vector<100x99xi32> -> vector<100x99xf32>
    %mul3A_619 = arith.mulf %add3A_242, %add3A_242 : vector<100x99xf32>
    %mul3A_620 = arith.mulf %add3A_245, %add3A_245 : vector<100x99xf32>
    %add3A_621 = arith.addf %mul3A_619, %mul3A_620 : vector<100x99xf32>
    %sqrt3A_622 = math.sqrt %add3A_621 : vector<100x99xf32>
    %add3A_623 = arith.constant 9.99999996E-13 : f32
    %add3A_624 = vector.broadcast %add3A_623 : f32 to vector<100x99xf32>
    %add3A_625 = arith.addf %sqrt3A_622, %add3A_624 : vector<100x99xf32>
    %abs3A_626 = math.absf %add3A_625 : vector<100x99xf32>
    %abs3A_627 = math.absf %add3A_250 : vector<100x99xf32>
    %max3A_628 = arith.maximumf %abs3A_626, %abs3A_627 : vector<100x99xf32>
    %min3A_629 = arith.minimumf %abs3A_626, %abs3A_627 : vector<100x99xf32>
    %div3A_630 = arith.divf %min3A_629, %max3A_628 : vector<100x99xf32>
    %mul3A_631 = arith.mulf %div3A_630, %div3A_630 : vector<100x99xf32>
    %mul3A_632 = arith.constant -0.00180449022 : f32
    %mul3A_633 = vector.broadcast %mul3A_632 : f32 to vector<100x99xf32>
    %mul3A_634 = arith.mulf %mul3A_633, %mul3A_631 : vector<100x99xf32>
    %add3A_635 = arith.constant 0.0109624434 : f32
    %add3A_636 = vector.broadcast %add3A_635 : f32 to vector<100x99xf32>
    %add3A_637 = arith.addf %mul3A_634, %add3A_636 : vector<100x99xf32>
    %mul3A_638 = arith.mulf %add3A_637, %mul3A_631 : vector<100x99xf32>
    %add3A_639 = arith.constant -0.0312645063 : f32
    %add3A_640 = vector.broadcast %add3A_639 : f32 to vector<100x99xf32>
    %add3A_641 = arith.addf %mul3A_638, %add3A_640 : vector<100x99xf32>
    %mul3A_642 = arith.mulf %add3A_641, %mul3A_631 : vector<100x99xf32>
    %add3A_643 = arith.constant 0.0580404513 : f32
    %add3A_644 = vector.broadcast %add3A_643 : f32 to vector<100x99xf32>
    %add3A_645 = arith.addf %mul3A_642, %add3A_644 : vector<100x99xf32>
    %mul3A_646 = arith.mulf %add3A_645, %mul3A_631 : vector<100x99xf32>
    %add3A_647 = arith.constant -0.0840787888 : f32
    %add3A_648 = vector.broadcast %add3A_647 : f32 to vector<100x99xf32>
    %add3A_649 = arith.addf %mul3A_646, %add3A_648 : vector<100x99xf32>
    %mul3A_650 = arith.mulf %add3A_649, %mul3A_631 : vector<100x99xf32>
    %add3A_651 = arith.constant 0.109534502 : f32
    %add3A_652 = vector.broadcast %add3A_651 : f32 to vector<100x99xf32>
    %add3A_653 = arith.addf %mul3A_650, %add3A_652 : vector<100x99xf32>
    %mul3A_654 = arith.mulf %add3A_653, %mul3A_631 : vector<100x99xf32>
    %add3A_655 = arith.constant -0.142643899 : f32
    %add3A_656 = vector.broadcast %add3A_655 : f32 to vector<100x99xf32>
    %add3A_657 = arith.addf %mul3A_654, %add3A_656 : vector<100x99xf32>
    %mul3A_658 = arith.mulf %add3A_657, %mul3A_631 : vector<100x99xf32>
    %add3A_659 = arith.constant 0.19998543 : f32
    %add3A_660 = vector.broadcast %add3A_659 : f32 to vector<100x99xf32>
    %add3A_661 = arith.addf %mul3A_658, %add3A_660 : vector<100x99xf32>
    %mul3A_662 = arith.mulf %add3A_661, %mul3A_631 : vector<100x99xf32>
    %add3A_663 = arith.constant -0.333332956 : f32
    %add3A_664 = vector.broadcast %add3A_663 : f32 to vector<100x99xf32>
    %add3A_665 = arith.addf %mul3A_662, %add3A_664 : vector<100x99xf32>
    %mul3A_666 = arith.mulf %add3A_665, %mul3A_631 : vector<100x99xf32>
    %add3A_667 = arith.constant 1.000000e+00 : f32
    %add3A_668 = vector.broadcast %add3A_667 : f32 to vector<100x99xf32>
    %add3A_669 = arith.addf %mul3A_666, %add3A_668 : vector<100x99xf32>
    %mul3A_670 = arith.mulf %div3A_630, %add3A_669 : vector<100x99xf32>
    %gt3A_671 = arith.cmpf ogt, %abs3A_627, %abs3A_626 : vector<100x99xf32>
    %sub3A_672 = arith.constant 1.57079637 : f32
    %sub3A_673 = vector.broadcast %sub3A_672 : f32 to vector<100x99xf32>
    %sub3A_674 = arith.subf %sub3A_673, %mul3A_670 : vector<100x99xf32>
    %select_n3A_675 = arith.select %gt3A_671, %sub3A_674, %mul3A_670 : vector<100x99xi1>, vector<100x99xf32>
    %lt3A_676 = arith.constant 0.000000e+00 : f32
    %lt3A_677 = vector.broadcast %lt3A_676 : f32 to vector<100x99xf32>
    %lt3A_678 = arith.cmpf olt, %add3A_625, %lt3A_677 : vector<100x99xf32>
    %sub3A_679 = arith.constant 3.14159274 : f32
    %sub3A_680 = vector.broadcast %sub3A_679 : f32 to vector<100x99xf32>
    %sub3A_681 = arith.subf %sub3A_680, %select_n3A_675 : vector<100x99xf32>
    %select_n3A_682 = arith.select %lt3A_678, %sub3A_681, %select_n3A_675 : vector<100x99xi1>, vector<100x99xf32>
    %eq3A_683 = arith.constant 0.000000e+00 : f32
    %eq3A_684 = vector.broadcast %eq3A_683 : f32 to vector<100x99xf32>
    %eq3A_685 = arith.cmpf oeq, %max3A_628, %eq3A_684 : vector<100x99xf32>
    %jit3A_686 = arith.constant 0.000000e+00 : f32
    %broadcast_in_dim3A_687 = vector.broadcast %jit3A_686 : f32 to vector<100x99xf32>
    %select_n3A_688 = arith.select %eq3A_685, %broadcast_in_dim3A_687, %select_n3A_682 : vector<100x99xi1>, vector<100x99xf32>
    %bitcast_convert_type3A_689 = tpu.bitcast %select_n3A_688 : vector<100x99xf32> -> vector<100x99xi32>
    %bitcast_convert_type3A_690 = tpu.bitcast %add3A_250 : vector<100x99xf32> -> vector<100x99xi32>
    %and3A_691 = arith.constant -2147483648 : i32
    %and3A_692 = vector.broadcast %and3A_691 : i32 to vector<100x99xi32>
    %and3A_693 = arith.andi %bitcast_convert_type3A_690, %and3A_692 : vector<100x99xi32>
    %or3A_694 = arith.ori %bitcast_convert_type3A_689, %and3A_693 : vector<100x99xi32>
    %bitcast_convert_type3A_695 = tpu.bitcast %or3A_694 : vector<100x99xi32> -> vector<100x99xf32>
    %swap3A_696 = arith.constant 0 : index
    %swap3A_697 = arith.constant 0 : index
    %swap3A_698 = arith.constant 0 : index
    %swap3A_699 = arith.constant 0 : index
    %swap3A_700 = vector.load %arg5[%swap3A_696, %swap3A_697, %swap3A_698, %swap3A_699] : memref<1x12x100x99xf32, #tpu.memory_space<vmem>>, vector<1x1x100x99xf32>
    %swap3A_701 = vector.shape_cast %swap3A_700 : vector<1x1x100x99xf32> to vector<100x99xf32>
    %swap3A_702 = vector.shape_cast %add3A_242 : vector<100x99xf32> to vector<1x1x100x99xf32>
    tpu.vector_store %arg5[%swap3A_696, %swap3A_697, %swap3A_698, %swap3A_699], %swap3A_702 {strides = array<i32>} : memref<1x12x100x99xf32, #tpu.memory_space<vmem>>, vector<1x1x100x99xf32>,
    %swap3A_703 = arith.constant 0 : index
    %swap3A_704 = arith.constant 1 : index
    %swap3A_705 = arith.constant 0 : index
    %swap3A_706 = arith.constant 0 : index
    %swap3A_707 = vector.load %arg5[%swap3A_703, %swap3A_704, %swap3A_705, %swap3A_706] : memref<1x12x100x99xf32, #tpu.memory_space<vmem>>, vector<1x1x100x99xf32>
    %swap3A_708 = vector.shape_cast %swap3A_707 : vector<1x1x100x99xf32> to vector<100x99xf32>
    %swap3A_709 = vector.shape_cast %add3A_245 : vector<100x99xf32> to vector<1x1x100x99xf32>
    tpu.vector_store %arg5[%swap3A_703, %swap3A_704, %swap3A_705, %swap3A_706], %swap3A_709 {strides = array<i32>} : memref<1x12x100x99xf32, #tpu.memory_space<vmem>>, vector<1x1x100x99xf32>,
    %swap3A_710 = arith.constant 0 : index
    %swap3A_711 = arith.constant 2 : index
    %swap3A_712 = arith.constant 0 : index
    %swap3A_713 = arith.constant 0 : index
    %swap3A_714 = vector.load %arg5[%swap3A_710, %swap3A_711, %swap3A_712, %swap3A_713] : memref<1x12x100x99xf32, #tpu.memory_space<vmem>>, vector<1x1x100x99xf32>
    %swap3A_715 = vector.shape_cast %swap3A_714 : vector<1x1x100x99xf32> to vector<100x99xf32>
    %swap3A_716 = vector.shape_cast %add3A_250 : vector<100x99xf32> to vector<1x1x100x99xf32>
    tpu.vector_store %arg5[%swap3A_710, %swap3A_711, %swap3A_712, %swap3A_713], %swap3A_716 {strides = array<i32>} : memref<1x12x100x99xf32, #tpu.memory_space<vmem>>, vector<1x1x100x99xf32>,
    %swap3A_717 = arith.constant 0 : index
    %swap3A_718 = arith.constant 3 : index
    %swap3A_719 = arith.constant 0 : index
    %swap3A_720 = arith.constant 0 : index
    %swap3A_721 = vector.load %arg5[%swap3A_717, %swap3A_718, %swap3A_719, %swap3A_720] : memref<1x12x100x99xf32, #tpu.memory_space<vmem>>, vector<1x1x100x99xf32>
    %swap3A_722 = vector.shape_cast %swap3A_721 : vector<1x1x100x99xf32> to vector<100x99xf32>
    %swap3A_723 = vector.shape_cast %bitcast_convert_type3A_389 : vector<100x99xf32> to vector<1x1x100x99xf32>
    tpu.vector_store %arg5[%swap3A_717, %swap3A_718, %swap3A_719, %swap3A_720], %swap3A_723 {strides = array<i32>} : memref<1x12x100x99xf32, #tpu.memory_space<vmem>>, vector<1x1x100x99xf32>,
    %swap3A_724 = arith.constant 0 : index
    %swap3A_725 = arith.constant 4 : index
    %swap3A_726 = arith.constant 0 : index
    %swap3A_727 = arith.constant 0 : index
    %swap3A_728 = vector.load %arg5[%swap3A_724, %swap3A_725, %swap3A_726, %swap3A_727] : memref<1x12x100x99xf32, #tpu.memory_space<vmem>>, vector<1x1x100x99xf32>
    %swap3A_729 = vector.shape_cast %swap3A_728 : vector<1x1x100x99xf32> to vector<100x99xf32>
    %swap3A_730 = vector.shape_cast %bitcast_convert_type3A_469 : vector<100x99xf32> to vector<1x1x100x99xf32>
    tpu.vector_store %arg5[%swap3A_724, %swap3A_725, %swap3A_726, %swap3A_727], %swap3A_730 {strides = array<i32>} : memref<1x12x100x99xf32, #tpu.memory_space<vmem>>, vector<1x1x100x99xf32>,
    %swap3A_731 = arith.constant 0 : index
    %swap3A_732 = arith.constant 5 : index
    %swap3A_733 = arith.constant 0 : index
    %swap3A_734 = arith.constant 0 : index
    %swap3A_735 = vector.load %arg5[%swap3A_731, %swap3A_732, %swap3A_733, %swap3A_734] : memref<1x12x100x99xf32, #tpu.memory_space<vmem>>, vector<1x1x100x99xf32>
    %swap3A_736 = vector.shape_cast %swap3A_735 : vector<1x1x100x99xf32> to vector<100x99xf32>
    %swap3A_737 = vector.shape_cast %bitcast_convert_type3A_539 : vector<100x99xf32> to vector<1x1x100x99xf32>
    tpu.vector_store %arg5[%swap3A_731, %swap3A_732, %swap3A_733, %swap3A_734], %swap3A_737 {strides = array<i32>} : memref<1x12x100x99xf32, #tpu.memory_space<vmem>>, vector<1x1x100x99xf32>,
    %swap3A_738 = arith.constant 0 : index
    %swap3A_739 = arith.constant 6 : index
    %swap3A_740 = arith.constant 0 : index
    %swap3A_741 = arith.constant 0 : index
    %swap3A_742 = vector.load %arg5[%swap3A_738, %swap3A_739, %swap3A_740, %swap3A_741] : memref<1x12x100x99xf32, #tpu.memory_space<vmem>>, vector<1x1x100x99xf32>
    %swap3A_743 = vector.shape_cast %swap3A_742 : vector<1x1x100x99xf32> to vector<100x99xf32>
    %swap3A_744 = vector.shape_cast %sqrt3A_548 : vector<100x99xf32> to vector<1x1x100x99xf32>
    tpu.vector_store %arg5[%swap3A_738, %swap3A_739, %swap3A_740, %swap3A_741], %swap3A_744 {strides = array<i32>} : memref<1x12x100x99xf32, #tpu.memory_space<vmem>>, vector<1x1x100x99xf32>,
    %swap3A_745 = arith.constant 0 : index
    %swap3A_746 = arith.constant 7 : index
    %swap3A_747 = arith.constant 0 : index
    %swap3A_748 = arith.constant 0 : index
    %swap3A_749 = vector.load %arg5[%swap3A_745, %swap3A_746, %swap3A_747, %swap3A_748] : memref<1x12x100x99xf32, #tpu.memory_space<vmem>>, vector<1x1x100x99xf32>
    %swap3A_750 = vector.shape_cast %swap3A_749 : vector<1x1x100x99xf32> to vector<100x99xf32>
    %swap3A_751 = vector.shape_cast %bitcast_convert_type3A_618 : vector<100x99xf32> to vector<1x1x100x99xf32>
    tpu.vector_store %arg5[%swap3A_745, %swap3A_746, %swap3A_747, %swap3A_748], %swap3A_751 {strides = array<i32>} : memref<1x12x100x99xf32, #tpu.memory_space<vmem>>, vector<1x1x100x99xf32>,
    %swap3A_752 = arith.constant 0 : index
    %swap3A_753 = arith.constant 8 : index
    %swap3A_754 = arith.constant 0 : index
    %swap3A_755 = arith.constant 0 : index
    %swap3A_756 = vector.load %arg5[%swap3A_752, %swap3A_753, %swap3A_754, %swap3A_755] : memref<1x12x100x99xf32, #tpu.memory_space<vmem>>, vector<1x1x100x99xf32>
    %swap3A_757 = vector.shape_cast %swap3A_756 : vector<1x1x100x99xf32> to vector<100x99xf32>
    %swap3A_758 = vector.shape_cast %bitcast_convert_type3A_695 : vector<100x99xf32> to vector<1x1x100x99xf32>
    tpu.vector_store %arg5[%swap3A_752, %swap3A_753, %swap3A_754, %swap3A_755], %swap3A_758 {strides = array<i32>} : memref<1x12x100x99xf32, #tpu.memory_space<vmem>>, vector<1x1x100x99xf32>,
    %swap3A_759 = arith.constant 0 : index
    %swap3A_760 = arith.constant 9 : index
    %swap3A_761 = arith.constant 0 : index
    %swap3A_762 = arith.constant 0 : index
    %swap3A_763 = vector.load %arg5[%swap3A_759, %swap3A_760, %swap3A_761, %swap3A_762] : memref<1x12x100x99xf32, #tpu.memory_space<vmem>>, vector<1x1x100x99xf32>
    %swap3A_764 = vector.shape_cast %swap3A_763 : vector<1x1x100x99xf32> to vector<100x99xf32>
    %swap3A_765 = vector.shape_cast %add3A_255 : vector<100x99xf32> to vector<1x1x100x99xf32>
    tpu.vector_store %arg5[%swap3A_759, %swap3A_760, %swap3A_761, %swap3A_762], %swap3A_765 {strides = array<i32>} : memref<1x12x100x99xf32, #tpu.memory_space<vmem>>, vector<1x1x100x99xf32>,
    %swap3A_766 = arith.constant 0 : index
    %swap3A_767 = arith.constant 10 : index
    %swap3A_768 = arith.constant 0 : index
    %swap3A_769 = arith.constant 0 : index
    %swap3A_770 = vector.load %arg5[%swap3A_766, %swap3A_767, %swap3A_768, %swap3A_769] : memref<1x12x100x99xf32, #tpu.memory_space<vmem>>, vector<1x1x100x99xf32>
    %swap3A_771 = vector.shape_cast %swap3A_770 : vector<1x1x100x99xf32> to vector<100x99xf32>
    %swap3A_772 = vector.shape_cast %add3A_258 : vector<100x99xf32> to vector<1x1x100x99xf32>
    tpu.vector_store %arg5[%swap3A_766, %swap3A_767, %swap3A_768, %swap3A_769], %swap3A_772 {strides = array<i32>} : memref<1x12x100x99xf32, #tpu.memory_space<vmem>>, vector<1x1x100x99xf32>,
    %swap3A_773 = arith.constant 0 : index
    %swap3A_774 = arith.constant 11 : index
    %swap3A_775 = arith.constant 0 : index
    %swap3A_776 = arith.constant 0 : index
    %swap3A_777 = vector.load %arg5[%swap3A_773, %swap3A_774, %swap3A_775, %swap3A_776] : memref<1x12x100x99xf32, #tpu.memory_space<vmem>>, vector<1x1x100x99xf32>
    %swap3A_778 = vector.shape_cast %swap3A_777 : vector<1x1x100x99xf32> to vector<100x99xf32>
    %swap3A_779 = vector.shape_cast %add3A_263 : vector<100x99xf32> to vector<1x1x100x99xf32>
    tpu.vector_store %arg5[%swap3A_773, %swap3A_774, %swap3A_775, %swap3A_776], %swap3A_779 {strides = array<i32>} : memref<1x12x100x99xf32, #tpu.memory_space<vmem>>, vector<1x1x100x99xf32>,
    %slice3A_780 = vector.extract_strided_slice %slice3A_100 {offsets = [100, 0], sizes = [10, 1], strides = [1, 1]} : vector<110x1xf32> to vector<10x1xf32>
    %slice3A_781 = vector.extract_strided_slice %slice3A_101 {offsets = [100, 0], sizes = [10, 1], strides = [1, 1]} : vector<110x1xf32> to vector<10x1xf32>
    %slice3A_782 = vector.extract_strided_slice %slice3A_102 {offsets = [100, 0], sizes = [10, 1], strides = [1, 1]} : vector<110x1xf32> to vector<10x1xf32>
    %slice3A_783 = vector.extract_strided_slice %slice3A_103 {offsets = [100, 0], sizes = [10, 1], strides = [1, 1]} : vector<110x1xf32> to vector<10x1xf32>
    %slice3A_784 = vector.extract_strided_slice %slice3A_104 {offsets = [100, 0], sizes = [10, 1], strides = [1, 1]} : vector<110x1xf32> to vector<10x1xf32>
    %slice3A_785 = vector.extract_strided_slice %slice3A_105 {offsets = [100, 0], sizes = [10, 1], strides = [1, 1]} : vector<110x1xf32> to vector<10x1xf32>
    %slice3A_786 = vector.extract_strided_slice %slice3A_106 {offsets = [100, 0], sizes = [10, 1], strides = [1, 1]} : vector<110x1xf32> to vector<10x1xf32>
    %slice3A_787 = vector.extract_strided_slice %slice3A_107 {offsets = [100, 0], sizes = [10, 1], strides = [1, 1]} : vector<110x1xf32> to vector<10x1xf32>
    %slice3A_788 = vector.extract_strided_slice %slice3A_108 {offsets = [100, 0], sizes = [10, 1], strides = [1, 1]} : vector<110x1xf32> to vector<10x1xf32>
    %slice3A_789 = vector.extract_strided_slice %slice3A_109 {offsets = [100, 0], sizes = [10, 1], strides = [1, 1]} : vector<110x1xf32> to vector<10x1xf32>
    %slice3A_790 = vector.extract_strided_slice %slice3A_110 {offsets = [100, 0], sizes = [10, 1], strides = [1, 1]} : vector<110x1xf32> to vector<10x1xf32>
    %slice3A_791 = vector.extract_strided_slice %slice3A_111 {offsets = [100, 0], sizes = [10, 1], strides = [1, 1]} : vector<110x1xf32> to vector<10x1xf32>
    %slice3A_792 = vector.extract_strided_slice %slice3A_112 {offsets = [100, 0], sizes = [10, 1], strides = [1, 1]} : vector<110x1xf32> to vector<10x1xf32>
    %slice3A_793 = vector.extract_strided_slice %slice3A_113 {offsets = [100, 0], sizes = [10, 1], strides = [1, 1]} : vector<110x1xf32> to vector<10x1xf32>
    %slice3A_794 = vector.extract_strided_slice %slice3A {offsets = [0, 0], sizes = [1, 100], strides = [1, 1]} : vector<1x110xf32> to vector<1x100xf32>
    %slice3A_795 = vector.extract_strided_slice %slice3A_9 {offsets = [0, 0], sizes = [1, 100], strides = [1, 1]} : vector<1x110xf32> to vector<1x100xf32>
    %slice3A_796 = vector.extract_strided_slice %slice3A_10 {offsets = [0, 0], sizes = [1, 100], strides = [1, 1]} : vector<1x110xf32> to vector<1x100xf32>
    %slice3A_797 = vector.extract_strided_slice %slice3A_11 {offsets = [0, 0], sizes = [1, 100], strides = [1, 1]} : vector<1x110xf32> to vector<1x100xf32>
    %slice3A_798 = vector.extract_strided_slice %slice3A_12 {offsets = [0, 0], sizes = [1, 100], strides = [1, 1]} : vector<1x110xf32> to vector<1x100xf32>
    %slice3A_799 = vector.extract_strided_slice %slice3A_13 {offsets = [0, 0], sizes = [1, 100], strides = [1, 1]} : vector<1x110xf32> to vector<1x100xf32>
    %slice3A_800 = vector.extract_strided_slice %mul3A_21 {offsets = [0, 0], sizes = [1, 100], strides = [1, 1]} : vector<1x110xf32> to vector<1x100xf32>
    %slice3A_801 = vector.extract_strided_slice %mul3A_22 {offsets = [0, 0], sizes = [1, 100], strides = [1, 1]} : vector<1x110xf32> to vector<1x100xf32>
    %slice3A_802 = vector.extract_strided_slice %sin3A_20 {offsets = [0, 0], sizes = [1, 100], strides = [1, 1]} : vector<1x110xf32> to vector<1x100xf32>
    %slice3A_803 = vector.extract_strided_slice %neg3A_24 {offsets = [0, 0], sizes = [1, 100], strides = [1, 1]} : vector<1x110xf32> to vector<1x100xf32>
    %slice3A_804 = vector.extract_strided_slice %cos3A {offsets = [0, 0], sizes = [1, 100], strides = [1, 1]} : vector<1x110xf32> to vector<1x100xf32>
    %slice3A_805 = vector.extract_strided_slice %mul3A_28 {offsets = [0, 0], sizes = [1, 100], strides = [1, 1]} : vector<1x110xf32> to vector<1x100xf32>
    %slice3A_806 = vector.extract_strided_slice %mul3A_32 {offsets = [0, 0], sizes = [1, 100], strides = [1, 1]} : vector<1x110xf32> to vector<1x100xf32>
    %slice3A_807 = vector.extract_strided_slice %cos3A_19 {offsets = [0, 0], sizes = [1, 100], strides = [1, 1]} : vector<1x110xf32> to vector<1x100xf32>
    %sub3A_808 = vector.broadcast %slice3A_780 : vector<10x1xf32> to vector<10x100xf32>
    %sub3A_809 = vector.broadcast %slice3A_794 : vector<1x100xf32> to vector<10x100xf32>
    %sub3A_810 = arith.subf %sub3A_808, %sub3A_809 : vector<10x100xf32>
    %sub3A_811 = vector.broadcast %slice3A_781 : vector<10x1xf32> to vector<10x100xf32>
    %sub3A_812 = vector.broadcast %slice3A_795 : vector<1x100xf32> to vector<10x100xf32>
    %sub3A_813 = arith.subf %sub3A_811, %sub3A_812 : vector<10x100xf32>
    %sub3A_814 = vector.broadcast %slice3A_782 : vector<10x1xf32> to vector<10x100xf32>
    %sub3A_815 = vector.broadcast %slice3A_796 : vector<1x100xf32> to vector<10x100xf32>
    %sub3A_816 = arith.subf %sub3A_814, %sub3A_815 : vector<10x100xf32>
    %sub3A_817 = vector.broadcast %slice3A_783 : vector<10x1xf32> to vector<10x100xf32>
    %sub3A_818 = vector.broadcast %slice3A_797 : vector<1x100xf32> to vector<10x100xf32>
    %sub3A_819 = arith.subf %sub3A_817, %sub3A_818 : vector<10x100xf32>
    %sub3A_820 = vector.broadcast %slice3A_784 : vector<10x1xf32> to vector<10x100xf32>
    %sub3A_821 = vector.broadcast %slice3A_798 : vector<1x100xf32> to vector<10x100xf32>
    %sub3A_822 = arith.subf %sub3A_820, %sub3A_821 : vector<10x100xf32>
    %sub3A_823 = vector.broadcast %slice3A_785 : vector<10x1xf32> to vector<10x100xf32>
    %sub3A_824 = vector.broadcast %slice3A_799 : vector<1x100xf32> to vector<10x100xf32>
    %sub3A_825 = arith.subf %sub3A_823, %sub3A_824 : vector<10x100xf32>
    %mul3A_826 = vector.broadcast %slice3A_800 : vector<1x100xf32> to vector<10x100xf32>
    %mul3A_827 = arith.mulf %mul3A_826, %sub3A_810 : vector<10x100xf32>
    %mul3A_828 = vector.broadcast %slice3A_801 : vector<1x100xf32> to vector<10x100xf32>
    %mul3A_829 = arith.mulf %mul3A_828, %sub3A_813 : vector<10x100xf32>
    %add3A_830 = arith.addf %mul3A_827, %mul3A_829 : vector<10x100xf32>
    %mul3A_831 = vector.broadcast %slice3A_802 : vector<1x100xf32> to vector<10x100xf32>
    %mul3A_832 = arith.mulf %mul3A_831, %sub3A_816 : vector<10x100xf32>
    %add3A_833 = arith.addf %add3A_830, %mul3A_832 : vector<10x100xf32>
    %mul3A_834 = vector.broadcast %slice3A_803 : vector<1x100xf32> to vector<10x100xf32>
    %mul3A_835 = arith.mulf %mul3A_834, %sub3A_810 : vector<10x100xf32>
    %mul3A_836 = vector.broadcast %slice3A_804 : vector<1x100xf32> to vector<10x100xf32>
    %mul3A_837 = arith.mulf %mul3A_836, %sub3A_813 : vector<10x100xf32>
    %add3A_838 = arith.addf %mul3A_835, %mul3A_837 : vector<10x100xf32>
    %mul3A_839 = vector.broadcast %slice3A_805 : vector<1x100xf32> to vector<10x100xf32>
    %mul3A_840 = arith.mulf %mul3A_839, %sub3A_810 : vector<10x100xf32>
    %mul3A_841 = vector.broadcast %slice3A_806 : vector<1x100xf32> to vector<10x100xf32>
    %mul3A_842 = arith.mulf %mul3A_841, %sub3A_813 : vector<10x100xf32>
    %add3A_843 = arith.addf %mul3A_840, %mul3A_842 : vector<10x100xf32>
    %mul3A_844 = vector.broadcast %slice3A_807 : vector<1x100xf32> to vector<10x100xf32>
    %mul3A_845 = arith.mulf %mul3A_844, %sub3A_816 : vector<10x100xf32>
    %add3A_846 = arith.addf %add3A_843, %mul3A_845 : vector<10x100xf32>
    %mul3A_847 = vector.broadcast %slice3A_800 : vector<1x100xf32> to vector<10x100xf32>
    %mul3A_848 = arith.mulf %mul3A_847, %sub3A_819 : vector<10x100xf32>
    %mul3A_849 = vector.broadcast %slice3A_801 : vector<1x100xf32> to vector<10x100xf32>
    %mul3A_850 = arith.mulf %mul3A_849, %sub3A_822 : vector<10x100xf32>
    %add3A_851 = arith.addf %mul3A_848, %mul3A_850 : vector<10x100xf32>
    %mul3A_852 = vector.broadcast %slice3A_802 : vector<1x100xf32> to vector<10x100xf32>
    %mul3A_853 = arith.mulf %mul3A_852, %sub3A_825 : vector<10x100xf32>
    %add3A_854 = arith.addf %add3A_851, %mul3A_853 : vector<10x100xf32>
    %mul3A_855 = vector.broadcast %slice3A_803 : vector<1x100xf32> to vector<10x100xf32>
    %mul3A_856 = arith.mulf %mul3A_855, %sub3A_819 : vector<10x100xf32>
    %mul3A_857 = vector.broadcast %slice3A_804 : vector<1x100xf32> to vector<10x100xf32>
    %mul3A_858 = arith.mulf %mul3A_857, %sub3A_822 : vector<10x100xf32>
    %add3A_859 = arith.addf %mul3A_856, %mul3A_858 : vector<10x100xf32>
    %mul3A_860 = vector.broadcast %slice3A_805 : vector<1x100xf32> to vector<10x100xf32>
    %mul3A_861 = arith.mulf %mul3A_860, %sub3A_819 : vector<10x100xf32>
    %mul3A_862 = vector.broadcast %slice3A_806 : vector<1x100xf32> to vector<10x100xf32>
    %mul3A_863 = arith.mulf %mul3A_862, %sub3A_822 : vector<10x100xf32>
    %add3A_864 = arith.addf %mul3A_861, %mul3A_863 : vector<10x100xf32>
    %mul3A_865 = vector.broadcast %slice3A_807 : vector<1x100xf32> to vector<10x100xf32>
    %mul3A_866 = arith.mulf %mul3A_865, %sub3A_825 : vector<10x100xf32>
    %add3A_867 = arith.addf %add3A_864, %mul3A_866 : vector<10x100xf32>
    %convert_element_type3A_868 = arith.truncf %slice3A_800 : vector<1x100xf32> to vector<1x100xbf16>
    %convert_element_type3A_869 = arith.extf %convert_element_type3A_868 : vector<1x100xbf16> to vector<1x100xf32>
    %convert_element_type3A_870 = arith.truncf %slice3A_801 : vector<1x100xf32> to vector<1x100xbf16>
    %convert_element_type3A_871 = arith.extf %convert_element_type3A_870 : vector<1x100xbf16> to vector<1x100xf32>
    %convert_element_type3A_872 = arith.truncf %slice3A_802 : vector<1x100xf32> to vector<1x100xbf16>
    %convert_element_type3A_873 = arith.extf %convert_element_type3A_872 : vector<1x100xbf16> to vector<1x100xf32>
    %convert_element_type3A_874 = arith.truncf %slice3A_803 : vector<1x100xf32> to vector<1x100xbf16>
    %convert_element_type3A_875 = arith.extf %convert_element_type3A_874 : vector<1x100xbf16> to vector<1x100xf32>
    %convert_element_type3A_876 = arith.truncf %slice3A_804 : vector<1x100xf32> to vector<1x100xbf16>
    %convert_element_type3A_877 = arith.extf %convert_element_type3A_876 : vector<1x100xbf16> to vector<1x100xf32>
    %convert_element_type3A_878 = arith.truncf %slice3A_805 : vector<1x100xf32> to vector<1x100xbf16>
    %convert_element_type3A_879 = arith.extf %convert_element_type3A_878 : vector<1x100xbf16> to vector<1x100xf32>
    %convert_element_type3A_880 = arith.truncf %slice3A_806 : vector<1x100xf32> to vector<1x100xbf16>
    %convert_element_type3A_881 = arith.extf %convert_element_type3A_880 : vector<1x100xbf16> to vector<1x100xf32>
    %convert_element_type3A_882 = arith.truncf %slice3A_807 : vector<1x100xf32> to vector<1x100xbf16>
    %convert_element_type3A_883 = arith.extf %convert_element_type3A_882 : vector<1x100xbf16> to vector<1x100xf32>
    %convert_element_type3A_884 = arith.truncf %slice3A_786 : vector<10x1xf32> to vector<10x1xbf16>
    %convert_element_type3A_885 = arith.extf %convert_element_type3A_884 : vector<10x1xbf16> to vector<10x1xf32>
    %convert_element_type3A_886 = arith.truncf %slice3A_787 : vector<10x1xf32> to vector<10x1xbf16>
    %convert_element_type3A_887 = arith.extf %convert_element_type3A_886 : vector<10x1xbf16> to vector<10x1xf32>
    %convert_element_type3A_888 = arith.truncf %slice3A_788 : vector<10x1xf32> to vector<10x1xbf16>
    %convert_element_type3A_889 = arith.extf %convert_element_type3A_888 : vector<10x1xbf16> to vector<10x1xf32>
    %convert_element_type3A_890 = arith.truncf %slice3A_789 : vector<10x1xf32> to vector<10x1xbf16>
    %convert_element_type3A_891 = arith.extf %convert_element_type3A_890 : vector<10x1xbf16> to vector<10x1xf32>
    %convert_element_type3A_892 = arith.truncf %slice3A_790 : vector<10x1xf32> to vector<10x1xbf16>
    %convert_element_type3A_893 = arith.extf %convert_element_type3A_892 : vector<10x1xbf16> to vector<10x1xf32>
    %convert_element_type3A_894 = arith.truncf %slice3A_791 : vector<10x1xf32> to vector<10x1xbf16>
    %convert_element_type3A_895 = arith.extf %convert_element_type3A_894 : vector<10x1xbf16> to vector<10x1xf32>
    %convert_element_type3A_896 = arith.truncf %slice3A_792 : vector<10x1xf32> to vector<10x1xbf16>
    %convert_element_type3A_897 = arith.extf %convert_element_type3A_896 : vector<10x1xbf16> to vector<10x1xf32>
    %convert_element_type3A_898 = arith.truncf %slice3A_793 : vector<10x1xf32> to vector<10x1xbf16>
    %convert_element_type3A_899 = arith.extf %convert_element_type3A_898 : vector<10x1xbf16> to vector<10x1xf32>
    %mul3A_900 = vector.broadcast %convert_element_type3A_869 : vector<1x100xf32> to vector<10x100xf32>
    %mul3A_901 = vector.broadcast %convert_element_type3A_885 : vector<10x1xf32> to vector<10x100xf32>
    %mul3A_902 = arith.mulf %mul3A_900, %mul3A_901 : vector<10x100xf32>
    %mul3A_903 = vector.broadcast %convert_element_type3A_871 : vector<1x100xf32> to vector<10x100xf32>
    %mul3A_904 = vector.broadcast %convert_element_type3A_887 : vector<10x1xf32> to vector<10x100xf32>
    %mul3A_905 = arith.mulf %mul3A_903, %mul3A_904 : vector<10x100xf32>
    %add3A_906 = arith.addf %mul3A_902, %mul3A_905 : vector<10x100xf32>
    %mul3A_907 = vector.broadcast %convert_element_type3A_873 : vector<1x100xf32> to vector<10x100xf32>
    %mul3A_908 = vector.broadcast %convert_element_type3A_889 : vector<10x1xf32> to vector<10x100xf32>
    %mul3A_909 = arith.mulf %mul3A_907, %mul3A_908 : vector<10x100xf32>
    %add3A_910 = arith.addf %add3A_906, %mul3A_909 : vector<10x100xf32>
    %mul3A_911 = vector.broadcast %convert_element_type3A_875 : vector<1x100xf32> to vector<10x100xf32>
    %mul3A_912 = vector.broadcast %convert_element_type3A_885 : vector<10x1xf32> to vector<10x100xf32>
    %mul3A_913 = arith.mulf %mul3A_911, %mul3A_912 : vector<10x100xf32>
    %mul3A_914 = vector.broadcast %convert_element_type3A_877 : vector<1x100xf32> to vector<10x100xf32>
    %mul3A_915 = vector.broadcast %convert_element_type3A_887 : vector<10x1xf32> to vector<10x100xf32>
    %mul3A_916 = arith.mulf %mul3A_914, %mul3A_915 : vector<10x100xf32>
    %add3A_917 = arith.addf %mul3A_913, %mul3A_916 : vector<10x100xf32>
    %mul3A_918 = vector.broadcast %convert_element_type3A_879 : vector<1x100xf32> to vector<10x100xf32>
    %mul3A_919 = vector.broadcast %convert_element_type3A_885 : vector<10x1xf32> to vector<10x100xf32>
    %mul3A_920 = arith.mulf %mul3A_918, %mul3A_919 : vector<10x100xf32>
    %mul3A_921 = vector.broadcast %convert_element_type3A_881 : vector<1x100xf32> to vector<10x100xf32>
    %mul3A_922 = vector.broadcast %convert_element_type3A_887 : vector<10x1xf32> to vector<10x100xf32>
    %mul3A_923 = arith.mulf %mul3A_921, %mul3A_922 : vector<10x100xf32>
    %add3A_924 = arith.addf %mul3A_920, %mul3A_923 : vector<10x100xf32>
    %mul3A_925 = vector.broadcast %convert_element_type3A_883 : vector<1x100xf32> to vector<10x100xf32>
    %mul3A_926 = vector.broadcast %convert_element_type3A_889 : vector<10x1xf32> to vector<10x100xf32>
    %mul3A_927 = arith.mulf %mul3A_925, %mul3A_926 : vector<10x100xf32>
    %add3A_928 = arith.addf %add3A_924, %mul3A_927 : vector<10x100xf32>
    %mul3A_929 = vector.broadcast %convert_element_type3A_879 : vector<1x100xf32> to vector<10x100xf32>
    %mul3A_930 = vector.broadcast %convert_element_type3A_891 : vector<10x1xf32> to vector<10x100xf32>
    %mul3A_931 = arith.mulf %mul3A_929, %mul3A_930 : vector<10x100xf32>
    %mul3A_932 = vector.broadcast %convert_element_type3A_881 : vector<1x100xf32> to vector<10x100xf32>
    %mul3A_933 = vector.broadcast %convert_element_type3A_893 : vector<10x1xf32> to vector<10x100xf32>
    %mul3A_934 = arith.mulf %mul3A_932, %mul3A_933 : vector<10x100xf32>
    %add3A_935 = arith.addf %mul3A_931, %mul3A_934 : vector<10x100xf32>
    %mul3A_936 = vector.broadcast %convert_element_type3A_879 : vector<1x100xf32> to vector<10x100xf32>
    %mul3A_937 = vector.broadcast %convert_element_type3A_895 : vector<10x1xf32> to vector<10x100xf32>
    %mul3A_938 = arith.mulf %mul3A_936, %mul3A_937 : vector<10x100xf32>
    %mul3A_939 = vector.broadcast %convert_element_type3A_881 : vector<1x100xf32> to vector<10x100xf32>
    %mul3A_940 = vector.broadcast %convert_element_type3A_897 : vector<10x1xf32> to vector<10x100xf32>
    %mul3A_941 = arith.mulf %mul3A_939, %mul3A_940 : vector<10x100xf32>
    %add3A_942 = arith.addf %mul3A_938, %mul3A_941 : vector<10x100xf32>
    %mul3A_943 = vector.broadcast %convert_element_type3A_883 : vector<1x100xf32> to vector<10x100xf32>
    %mul3A_944 = vector.broadcast %convert_element_type3A_899 : vector<10x1xf32> to vector<10x100xf32>
    %mul3A_945 = arith.mulf %mul3A_943, %mul3A_944 : vector<10x100xf32>
    %add3A_946 = arith.addf %add3A_942, %mul3A_945 : vector<10x100xf32>
    %abs3A_947 = math.absf %add3A_946 : vector<10x100xf32>
    %abs3A_948 = math.absf %add3A_935 : vector<10x100xf32>
    %max3A_949 = arith.maximumf %abs3A_947, %abs3A_948 : vector<10x100xf32>
    %min3A_950 = arith.minimumf %abs3A_947, %abs3A_948 : vector<10x100xf32>
    %div3A_951 = arith.divf %min3A_950, %max3A_949 : vector<10x100xf32>
    %mul3A_952 = arith.mulf %div3A_951, %div3A_951 : vector<10x100xf32>
    %mul3A_953 = arith.constant -0.00180449022 : f32
    %mul3A_954 = vector.broadcast %mul3A_953 : f32 to vector<10x100xf32>
    %mul3A_955 = arith.mulf %mul3A_954, %mul3A_952 : vector<10x100xf32>
    %add3A_956 = arith.constant 0.0109624434 : f32
    %add3A_957 = vector.broadcast %add3A_956 : f32 to vector<10x100xf32>
    %add3A_958 = arith.addf %mul3A_955, %add3A_957 : vector<10x100xf32>
    %mul3A_959 = arith.mulf %add3A_958, %mul3A_952 : vector<10x100xf32>
    %add3A_960 = arith.constant -0.0312645063 : f32
    %add3A_961 = vector.broadcast %add3A_960 : f32 to vector<10x100xf32>
    %add3A_962 = arith.addf %mul3A_959, %add3A_961 : vector<10x100xf32>
    %mul3A_963 = arith.mulf %add3A_962, %mul3A_952 : vector<10x100xf32>
    %add3A_964 = arith.constant 0.0580404513 : f32
    %add3A_965 = vector.broadcast %add3A_964 : f32 to vector<10x100xf32>
    %add3A_966 = arith.addf %mul3A_963, %add3A_965 : vector<10x100xf32>
    %mul3A_967 = arith.mulf %add3A_966, %mul3A_952 : vector<10x100xf32>
    %add3A_968 = arith.constant -0.0840787888 : f32
    %add3A_969 = vector.broadcast %add3A_968 : f32 to vector<10x100xf32>
    %add3A_970 = arith.addf %mul3A_967, %add3A_969 : vector<10x100xf32>
    %mul3A_971 = arith.mulf %add3A_970, %mul3A_952 : vector<10x100xf32>
    %add3A_972 = arith.constant 0.109534502 : f32
    %add3A_973 = vector.broadcast %add3A_972 : f32 to vector<10x100xf32>
    %add3A_974 = arith.addf %mul3A_971, %add3A_973 : vector<10x100xf32>
    %mul3A_975 = arith.mulf %add3A_974, %mul3A_952 : vector<10x100xf32>
    %add3A_976 = arith.constant -0.142643899 : f32
    %add3A_977 = vector.broadcast %add3A_976 : f32 to vector<10x100xf32>
    %add3A_978 = arith.addf %mul3A_975, %add3A_977 : vector<10x100xf32>
    %mul3A_979 = arith.mulf %add3A_978, %mul3A_952 : vector<10x100xf32>
    %add3A_980 = arith.constant 0.19998543 : f32
    %add3A_981 = vector.broadcast %add3A_980 : f32 to vector<10x100xf32>
    %add3A_982 = arith.addf %mul3A_979, %add3A_981 : vector<10x100xf32>
    %mul3A_983 = arith.mulf %add3A_982, %mul3A_952 : vector<10x100xf32>
    %add3A_984 = arith.constant -0.333332956 : f32
    %add3A_985 = vector.broadcast %add3A_984 : f32 to vector<10x100xf32>
    %add3A_986 = arith.addf %mul3A_983, %add3A_985 : vector<10x100xf32>
    %mul3A_987 = arith.mulf %add3A_986, %mul3A_952 : vector<10x100xf32>
    %add3A_988 = arith.constant 1.000000e+00 : f32
    %add3A_989 = vector.broadcast %add3A_988 : f32 to vector<10x100xf32>
    %add3A_990 = arith.addf %mul3A_987, %add3A_989 : vector<10x100xf32>
    %mul3A_991 = arith.mulf %div3A_951, %add3A_990 : vector<10x100xf32>
    %gt3A_992 = arith.cmpf ogt, %abs3A_948, %abs3A_947 : vector<10x100xf32>
    %sub3A_993 = arith.constant 1.57079637 : f32
    %sub3A_994 = vector.broadcast %sub3A_993 : f32 to vector<10x100xf32>
    %sub3A_995 = arith.subf %sub3A_994, %mul3A_991 : vector<10x100xf32>
    %select_n3A_996 = arith.select %gt3A_992, %sub3A_995, %mul3A_991 : vector<10x100xi1>, vector<10x100xf32>
    %lt3A_997 = arith.constant 0.000000e+00 : f32
    %lt3A_998 = vector.broadcast %lt3A_997 : f32 to vector<10x100xf32>
    %lt3A_999 = arith.cmpf olt, %add3A_946, %lt3A_998 : vector<10x100xf32>
    %sub3A_1000 = arith.constant 3.14159274 : f32
    %sub3A_1001 = vector.broadcast %sub3A_1000 : f32 to vector<10x100xf32>
    %sub3A_1002 = arith.subf %sub3A_1001, %select_n3A_996 : vector<10x100xf32>
    %select_n3A_1003 = arith.select %lt3A_999, %sub3A_1002, %select_n3A_996 : vector<10x100xi1>, vector<10x100xf32>
    %eq3A_1004 = arith.constant 0.000000e+00 : f32
    %eq3A_1005 = vector.broadcast %eq3A_1004 : f32 to vector<10x100xf32>
    %eq3A_1006 = arith.cmpf oeq, %max3A_949, %eq3A_1005 : vector<10x100xf32>
    %jit3A_1007 = arith.constant 0.000000e+00 : f32
    %broadcast_in_dim3A_1008 = vector.broadcast %jit3A_1007 : f32 to vector<10x100xf32>
    %select_n3A_1009 = arith.select %eq3A_1006, %broadcast_in_dim3A_1008, %select_n3A_1003 : vector<10x100xi1>, vector<10x100xf32>
    %bitcast_convert_type3A_1010 = tpu.bitcast %select_n3A_1009 : vector<10x100xf32> -> vector<10x100xi32>
    %bitcast_convert_type3A_1011 = tpu.bitcast %add3A_935 : vector<10x100xf32> -> vector<10x100xi32>
    %and3A_1012 = arith.constant -2147483648 : i32
    %and3A_1013 = vector.broadcast %and3A_1012 : i32 to vector<10x100xi32>
    %and3A_1014 = arith.andi %bitcast_convert_type3A_1011, %and3A_1013 : vector<10x100xi32>
    %or3A_1015 = arith.ori %bitcast_convert_type3A_1010, %and3A_1014 : vector<10x100xi32>
    %bitcast_convert_type3A_1016 = tpu.bitcast %or3A_1015 : vector<10x100xi32> -> vector<10x100xf32>
    %neg3A_1017 = arith.constant 0.000000e+00 : f32
    %neg3A_1018 = vector.broadcast %neg3A_1017 : f32 to vector<10x100xf32>
    %neg3A_1019 = arith.subf %neg3A_1018, %add3A_928 : vector<10x100xf32>
    %mul3A_1020 = arith.mulf %add3A_935, %add3A_935 : vector<10x100xf32>
    %mul3A_1021 = arith.mulf %add3A_946, %add3A_946 : vector<10x100xf32>
    %add3A_1022 = arith.addf %mul3A_1020, %mul3A_1021 : vector<10x100xf32>
    %sqrt3A_1023 = math.sqrt %add3A_1022 : vector<10x100xf32>
    %add3A_1024 = arith.constant 9.99999996E-13 : f32
    %add3A_1025 = vector.broadcast %add3A_1024 : f32 to vector<10x100xf32>
    %add3A_1026 = arith.addf %sqrt3A_1023, %add3A_1025 : vector<10x100xf32>
    %abs3A_1027 = math.absf %add3A_1026 : vector<10x100xf32>
    %abs3A_1028 = math.absf %neg3A_1019 : vector<10x100xf32>
    %max3A_1029 = arith.maximumf %abs3A_1027, %abs3A_1028 : vector<10x100xf32>
    %min3A_1030 = arith.minimumf %abs3A_1027, %abs3A_1028 : vector<10x100xf32>
    %div3A_1031 = arith.divf %min3A_1030, %max3A_1029 : vector<10x100xf32>
    %mul3A_1032 = arith.mulf %div3A_1031, %div3A_1031 : vector<10x100xf32>
    %mul3A_1033 = arith.constant -0.00180449022 : f32
    %mul3A_1034 = vector.broadcast %mul3A_1033 : f32 to vector<10x100xf32>
    %mul3A_1035 = arith.mulf %mul3A_1034, %mul3A_1032 : vector<10x100xf32>
    %add3A_1036 = arith.constant 0.0109624434 : f32
    %add3A_1037 = vector.broadcast %add3A_1036 : f32 to vector<10x100xf32>
    %add3A_1038 = arith.addf %mul3A_1035, %add3A_1037 : vector<10x100xf32>
    %mul3A_1039 = arith.mulf %add3A_1038, %mul3A_1032 : vector<10x100xf32>
    %add3A_1040 = arith.constant -0.0312645063 : f32
    %add3A_1041 = vector.broadcast %add3A_1040 : f32 to vector<10x100xf32>
    %add3A_1042 = arith.addf %mul3A_1039, %add3A_1041 : vector<10x100xf32>
    %mul3A_1043 = arith.mulf %add3A_1042, %mul3A_1032 : vector<10x100xf32>
    %add3A_1044 = arith.constant 0.0580404513 : f32
    %add3A_1045 = vector.broadcast %add3A_1044 : f32 to vector<10x100xf32>
    %add3A_1046 = arith.addf %mul3A_1043, %add3A_1045 : vector<10x100xf32>
    %mul3A_1047 = arith.mulf %add3A_1046, %mul3A_1032 : vector<10x100xf32>
    %add3A_1048 = arith.constant -0.0840787888 : f32
    %add3A_1049 = vector.broadcast %add3A_1048 : f32 to vector<10x100xf32>
    %add3A_1050 = arith.addf %mul3A_1047, %add3A_1049 : vector<10x100xf32>
    %mul3A_1051 = arith.mulf %add3A_1050, %mul3A_1032 : vector<10x100xf32>
    %add3A_1052 = arith.constant 0.109534502 : f32
    %add3A_1053 = vector.broadcast %add3A_1052 : f32 to vector<10x100xf32>
    %add3A_1054 = arith.addf %mul3A_1051, %add3A_1053 : vector<10x100xf32>
    %mul3A_1055 = arith.mulf %add3A_1054, %mul3A_1032 : vector<10x100xf32>
    %add3A_1056 = arith.constant -0.142643899 : f32
    %add3A_1057 = vector.broadcast %add3A_1056 : f32 to vector<10x100xf32>
    %add3A_1058 = arith.addf %mul3A_1055, %add3A_1057 : vector<10x100xf32>
    %mul3A_1059 = arith.mulf %add3A_1058, %mul3A_1032 : vector<10x100xf32>
    %add3A_1060 = arith.constant 0.19998543 : f32
    %add3A_1061 = vector.broadcast %add3A_1060 : f32 to vector<10x100xf32>
    %add3A_1062 = arith.addf %mul3A_1059, %add3A_1061 : vector<10x100xf32>
    %mul3A_1063 = arith.mulf %add3A_1062, %mul3A_1032 : vector<10x100xf32>
    %add3A_1064 = arith.constant -0.333332956 : f32
    %add3A_1065 = vector.broadcast %add3A_1064 : f32 to vector<10x100xf32>
    %add3A_1066 = arith.addf %mul3A_1063, %add3A_1065 : vector<10x100xf32>
    %mul3A_1067 = arith.mulf %add3A_1066, %mul3A_1032 : vector<10x100xf32>
    %add3A_1068 = arith.constant 1.000000e+00 : f32
    %add3A_1069 = vector.broadcast %add3A_1068 : f32 to vector<10x100xf32>
    %add3A_1070 = arith.addf %mul3A_1067, %add3A_1069 : vector<10x100xf32>
    %mul3A_1071 = arith.mulf %div3A_1031, %add3A_1070 : vector<10x100xf32>
    %gt3A_1072 = arith.cmpf ogt, %abs3A_1028, %abs3A_1027 : vector<10x100xf32>
    %sub3A_1073 = arith.constant 1.57079637 : f32
    %sub3A_1074 = vector.broadcast %sub3A_1073 : f32 to vector<10x100xf32>
    %sub3A_1075 = arith.subf %sub3A_1074, %mul3A_1071 : vector<10x100xf32>
    %select_n3A_1076 = arith.select %gt3A_1072, %sub3A_1075, %mul3A_1071 : vector<10x100xi1>, vector<10x100xf32>
    %lt3A_1077 = arith.constant 0.000000e+00 : f32
    %lt3A_1078 = vector.broadcast %lt3A_1077 : f32 to vector<10x100xf32>
    %lt3A_1079 = arith.cmpf olt, %add3A_1026, %lt3A_1078 : vector<10x100xf32>
    %sub3A_1080 = arith.constant 3.14159274 : f32
    %sub3A_1081 = vector.broadcast %sub3A_1080 : f32 to vector<10x100xf32>
    %sub3A_1082 = arith.subf %sub3A_1081, %select_n3A_1076 : vector<10x100xf32>
    %select_n3A_1083 = arith.select %lt3A_1079, %sub3A_1082, %select_n3A_1076 : vector<10x100xi1>, vector<10x100xf32>
    %eq3A_1084 = arith.constant 0.000000e+00 : f32
    %eq3A_1085 = vector.broadcast %eq3A_1084 : f32 to vector<10x100xf32>
    %eq3A_1086 = arith.cmpf oeq, %max3A_1029, %eq3A_1085 : vector<10x100xf32>
    %jit3A_1087 = arith.constant 0.000000e+00 : f32
    %broadcast_in_dim3A_1088 = vector.broadcast %jit3A_1087 : f32 to vector<10x100xf32>
    %select_n3A_1089 = arith.select %eq3A_1086, %broadcast_in_dim3A_1088, %select_n3A_1083 : vector<10x100xi1>, vector<10x100xf32>
    %bitcast_convert_type3A_1090 = tpu.bitcast %select_n3A_1089 : vector<10x100xf32> -> vector<10x100xi32>
    %bitcast_convert_type3A_1091 = tpu.bitcast %neg3A_1019 : vector<10x100xf32> -> vector<10x100xi32>
    %and3A_1092 = arith.constant -2147483648 : i32
    %and3A_1093 = vector.broadcast %and3A_1092 : i32 to vector<10x100xi32>
    %and3A_1094 = arith.andi %bitcast_convert_type3A_1091, %and3A_1093 : vector<10x100xi32>
    %or3A_1095 = arith.ori %bitcast_convert_type3A_1090, %and3A_1094 : vector<10x100xi32>
    %bitcast_convert_type3A_1096 = tpu.bitcast %or3A_1095 : vector<10x100xi32> -> vector<10x100xf32>
    %abs3A_1097 = math.absf %add3A_910 : vector<10x100xf32>
    %abs3A_1098 = math.absf %add3A_917 : vector<10x100xf32>
    %max3A_1099 = arith.maximumf %abs3A_1097, %abs3A_1098 : vector<10x100xf32>
    %min3A_1100 = arith.minimumf %abs3A_1097, %abs3A_1098 : vector<10x100xf32>
    %div3A_1101 = arith.divf %min3A_1100, %max3A_1099 : vector<10x100xf32>
    %mul3A_1102 = arith.mulf %div3A_1101, %div3A_1101 : vector<10x100xf32>
    %mul3A_1103 = arith.constant -0.00180449022 : f32
    %mul3A_1104 = vector.broadcast %mul3A_1103 : f32 to vector<10x100xf32>
    %mul3A_1105 = arith.mulf %mul3A_1104, %mul3A_1102 : vector<10x100xf32>
    %add3A_1106 = arith.constant 0.0109624434 : f32
    %add3A_1107 = vector.broadcast %add3A_1106 : f32 to vector<10x100xf32>
    %add3A_1108 = arith.addf %mul3A_1105, %add3A_1107 : vector<10x100xf32>
    %mul3A_1109 = arith.mulf %add3A_1108, %mul3A_1102 : vector<10x100xf32>
    %add3A_1110 = arith.constant -0.0312645063 : f32
    %add3A_1111 = vector.broadcast %add3A_1110 : f32 to vector<10x100xf32>
    %add3A_1112 = arith.addf %mul3A_1109, %add3A_1111 : vector<10x100xf32>
    %mul3A_1113 = arith.mulf %add3A_1112, %mul3A_1102 : vector<10x100xf32>
    %add3A_1114 = arith.constant 0.0580404513 : f32
    %add3A_1115 = vector.broadcast %add3A_1114 : f32 to vector<10x100xf32>
    %add3A_1116 = arith.addf %mul3A_1113, %add3A_1115 : vector<10x100xf32>
    %mul3A_1117 = arith.mulf %add3A_1116, %mul3A_1102 : vector<10x100xf32>
    %add3A_1118 = arith.constant -0.0840787888 : f32
    %add3A_1119 = vector.broadcast %add3A_1118 : f32 to vector<10x100xf32>
    %add3A_1120 = arith.addf %mul3A_1117, %add3A_1119 : vector<10x100xf32>
    %mul3A_1121 = arith.mulf %add3A_1120, %mul3A_1102 : vector<10x100xf32>
    %add3A_1122 = arith.constant 0.109534502 : f32
    %add3A_1123 = vector.broadcast %add3A_1122 : f32 to vector<10x100xf32>
    %add3A_1124 = arith.addf %mul3A_1121, %add3A_1123 : vector<10x100xf32>
    %mul3A_1125 = arith.mulf %add3A_1124, %mul3A_1102 : vector<10x100xf32>
    %add3A_1126 = arith.constant -0.142643899 : f32
    %add3A_1127 = vector.broadcast %add3A_1126 : f32 to vector<10x100xf32>
    %add3A_1128 = arith.addf %mul3A_1125, %add3A_1127 : vector<10x100xf32>
    %mul3A_1129 = arith.mulf %add3A_1128, %mul3A_1102 : vector<10x100xf32>
    %add3A_1130 = arith.constant 0.19998543 : f32
    %add3A_1131 = vector.broadcast %add3A_1130 : f32 to vector<10x100xf32>
    %add3A_1132 = arith.addf %mul3A_1129, %add3A_1131 : vector<10x100xf32>
    %mul3A_1133 = arith.mulf %add3A_1132, %mul3A_1102 : vector<10x100xf32>
    %add3A_1134 = arith.constant -0.333332956 : f32
    %add3A_1135 = vector.broadcast %add3A_1134 : f32 to vector<10x100xf32>
    %add3A_1136 = arith.addf %mul3A_1133, %add3A_1135 : vector<10x100xf32>
    %mul3A_1137 = arith.mulf %add3A_1136, %mul3A_1102 : vector<10x100xf32>
    %add3A_1138 = arith.constant 1.000000e+00 : f32
    %add3A_1139 = vector.broadcast %add3A_1138 : f32 to vector<10x100xf32>
    %add3A_1140 = arith.addf %mul3A_1137, %add3A_1139 : vector<10x100xf32>
    %mul3A_1141 = arith.mulf %div3A_1101, %add3A_1140 : vector<10x100xf32>
    %gt3A_1142 = arith.cmpf ogt, %abs3A_1098, %abs3A_1097 : vector<10x100xf32>
    %sub3A_1143 = arith.constant 1.57079637 : f32
    %sub3A_1144 = vector.broadcast %sub3A_1143 : f32 to vector<10x100xf32>
    %sub3A_1145 = arith.subf %sub3A_1144, %mul3A_1141 : vector<10x100xf32>
    %select_n3A_1146 = arith.select %gt3A_1142, %sub3A_1145, %mul3A_1141 : vector<10x100xi1>, vector<10x100xf32>
    %lt3A_1147 = arith.constant 0.000000e+00 : f32
    %lt3A_1148 = vector.broadcast %lt3A_1147 : f32 to vector<10x100xf32>
    %lt3A_1149 = arith.cmpf olt, %add3A_910, %lt3A_1148 : vector<10x100xf32>
    %sub3A_1150 = arith.constant 3.14159274 : f32
    %sub3A_1151 = vector.broadcast %sub3A_1150 : f32 to vector<10x100xf32>
    %sub3A_1152 = arith.subf %sub3A_1151, %select_n3A_1146 : vector<10x100xf32>
    %select_n3A_1153 = arith.select %lt3A_1149, %sub3A_1152, %select_n3A_1146 : vector<10x100xi1>, vector<10x100xf32>
    %eq3A_1154 = arith.constant 0.000000e+00 : f32
    %eq3A_1155 = vector.broadcast %eq3A_1154 : f32 to vector<10x100xf32>
    %eq3A_1156 = arith.cmpf oeq, %max3A_1099, %eq3A_1155 : vector<10x100xf32>
    %jit3A_1157 = arith.constant 0.000000e+00 : f32
    %broadcast_in_dim3A_1158 = vector.broadcast %jit3A_1157 : f32 to vector<10x100xf32>
    %select_n3A_1159 = arith.select %eq3A_1156, %broadcast_in_dim3A_1158, %select_n3A_1153 : vector<10x100xi1>, vector<10x100xf32>
    %bitcast_convert_type3A_1160 = tpu.bitcast %select_n3A_1159 : vector<10x100xf32> -> vector<10x100xi32>
    %bitcast_convert_type3A_1161 = tpu.bitcast %add3A_917 : vector<10x100xf32> -> vector<10x100xi32>
    %and3A_1162 = arith.constant -2147483648 : i32
    %and3A_1163 = vector.broadcast %and3A_1162 : i32 to vector<10x100xi32>
    %and3A_1164 = arith.andi %bitcast_convert_type3A_1161, %and3A_1163 : vector<10x100xi32>
    %or3A_1165 = arith.ori %bitcast_convert_type3A_1160, %and3A_1164 : vector<10x100xi32>
    %bitcast_convert_type3A_1166 = tpu.bitcast %or3A_1165 : vector<10x100xi32> -> vector<10x100xf32>
    %mul3A_1167 = arith.mulf %add3A_833, %add3A_833 : vector<10x100xf32>
    %mul3A_1168 = arith.mulf %add3A_838, %add3A_838 : vector<10x100xf32>
    %add3A_1169 = arith.addf %mul3A_1167, %mul3A_1168 : vector<10x100xf32>
    %mul3A_1170 = arith.mulf %add3A_846, %add3A_846 : vector<10x100xf32>
    %add3A_1171 = arith.addf %add3A_1169, %mul3A_1170 : vector<10x100xf32>
    %add3A_1172 = arith.constant 9.99999996E-13 : f32
    %add3A_1173 = vector.broadcast %add3A_1172 : f32 to vector<10x100xf32>
    %add3A_1174 = arith.addf %add3A_1171, %add3A_1173 : vector<10x100xf32>
    %sqrt3A_1175 = math.sqrt %add3A_1174 : vector<10x100xf32>
    %abs3A_1176 = math.absf %add3A_833 : vector<10x100xf32>
    %abs3A_1177 = math.absf %add3A_838 : vector<10x100xf32>
    %max3A_1178 = arith.maximumf %abs3A_1176, %abs3A_1177 : vector<10x100xf32>
    %min3A_1179 = arith.minimumf %abs3A_1176, %abs3A_1177 : vector<10x100xf32>
    %div3A_1180 = arith.divf %min3A_1179, %max3A_1178 : vector<10x100xf32>
    %mul3A_1181 = arith.mulf %div3A_1180, %div3A_1180 : vector<10x100xf32>
    %mul3A_1182 = arith.constant -0.00180449022 : f32
    %mul3A_1183 = vector.broadcast %mul3A_1182 : f32 to vector<10x100xf32>
    %mul3A_1184 = arith.mulf %mul3A_1183, %mul3A_1181 : vector<10x100xf32>
    %add3A_1185 = arith.constant 0.0109624434 : f32
    %add3A_1186 = vector.broadcast %add3A_1185 : f32 to vector<10x100xf32>
    %add3A_1187 = arith.addf %mul3A_1184, %add3A_1186 : vector<10x100xf32>
    %mul3A_1188 = arith.mulf %add3A_1187, %mul3A_1181 : vector<10x100xf32>
    %add3A_1189 = arith.constant -0.0312645063 : f32
    %add3A_1190 = vector.broadcast %add3A_1189 : f32 to vector<10x100xf32>
    %add3A_1191 = arith.addf %mul3A_1188, %add3A_1190 : vector<10x100xf32>
    %mul3A_1192 = arith.mulf %add3A_1191, %mul3A_1181 : vector<10x100xf32>
    %add3A_1193 = arith.constant 0.0580404513 : f32
    %add3A_1194 = vector.broadcast %add3A_1193 : f32 to vector<10x100xf32>
    %add3A_1195 = arith.addf %mul3A_1192, %add3A_1194 : vector<10x100xf32>
    %mul3A_1196 = arith.mulf %add3A_1195, %mul3A_1181 : vector<10x100xf32>
    %add3A_1197 = arith.constant -0.0840787888 : f32
    %add3A_1198 = vector.broadcast %add3A_1197 : f32 to vector<10x100xf32>
    %add3A_1199 = arith.addf %mul3A_1196, %add3A_1198 : vector<10x100xf32>
    %mul3A_1200 = arith.mulf %add3A_1199, %mul3A_1181 : vector<10x100xf32>
    %add3A_1201 = arith.constant 0.109534502 : f32
    %add3A_1202 = vector.broadcast %add3A_1201 : f32 to vector<10x100xf32>
    %add3A_1203 = arith.addf %mul3A_1200, %add3A_1202 : vector<10x100xf32>
    %mul3A_1204 = arith.mulf %add3A_1203, %mul3A_1181 : vector<10x100xf32>
    %add3A_1205 = arith.constant -0.142643899 : f32
    %add3A_1206 = vector.broadcast %add3A_1205 : f32 to vector<10x100xf32>
    %add3A_1207 = arith.addf %mul3A_1204, %add3A_1206 : vector<10x100xf32>
    %mul3A_1208 = arith.mulf %add3A_1207, %mul3A_1181 : vector<10x100xf32>
    %add3A_1209 = arith.constant 0.19998543 : f32
    %add3A_1210 = vector.broadcast %add3A_1209 : f32 to vector<10x100xf32>
    %add3A_1211 = arith.addf %mul3A_1208, %add3A_1210 : vector<10x100xf32>
    %mul3A_1212 = arith.mulf %add3A_1211, %mul3A_1181 : vector<10x100xf32>
    %add3A_1213 = arith.constant -0.333332956 : f32
    %add3A_1214 = vector.broadcast %add3A_1213 : f32 to vector<10x100xf32>
    %add3A_1215 = arith.addf %mul3A_1212, %add3A_1214 : vector<10x100xf32>
    %mul3A_1216 = arith.mulf %add3A_1215, %mul3A_1181 : vector<10x100xf32>
    %add3A_1217 = arith.constant 1.000000e+00 : f32
    %add3A_1218 = vector.broadcast %add3A_1217 : f32 to vector<10x100xf32>
    %add3A_1219 = arith.addf %mul3A_1216, %add3A_1218 : vector<10x100xf32>
    %mul3A_1220 = arith.mulf %div3A_1180, %add3A_1219 : vector<10x100xf32>
    %gt3A_1221 = arith.cmpf ogt, %abs3A_1177, %abs3A_1176 : vector<10x100xf32>
    %sub3A_1222 = arith.constant 1.57079637 : f32
    %sub3A_1223 = vector.broadcast %sub3A_1222 : f32 to vector<10x100xf32>
    %sub3A_1224 = arith.subf %sub3A_1223, %mul3A_1220 : vector<10x100xf32>
    %select_n3A_1225 = arith.select %gt3A_1221, %sub3A_1224, %mul3A_1220 : vector<10x100xi1>, vector<10x100xf32>
    %lt3A_1226 = arith.constant 0.000000e+00 : f32
    %lt3A_1227 = vector.broadcast %lt3A_1226 : f32 to vector<10x100xf32>
    %lt3A_1228 = arith.cmpf olt, %add3A_833, %lt3A_1227 : vector<10x100xf32>
    %sub3A_1229 = arith.constant 3.14159274 : f32
    %sub3A_1230 = vector.broadcast %sub3A_1229 : f32 to vector<10x100xf32>
    %sub3A_1231 = arith.subf %sub3A_1230, %select_n3A_1225 : vector<10x100xf32>
    %select_n3A_1232 = arith.select %lt3A_1228, %sub3A_1231, %select_n3A_1225 : vector<10x100xi1>, vector<10x100xf32>
    %eq3A_1233 = arith.constant 0.000000e+00 : f32
    %eq3A_1234 = vector.broadcast %eq3A_1233 : f32 to vector<10x100xf32>
    %eq3A_1235 = arith.cmpf oeq, %max3A_1178, %eq3A_1234 : vector<10x100xf32>
    %jit3A_1236 = arith.constant 0.000000e+00 : f32
    %broadcast_in_dim3A_1237 = vector.broadcast %jit3A_1236 : f32 to vector<10x100xf32>
    %select_n3A_1238 = arith.select %eq3A_1235, %broadcast_in_dim3A_1237, %select_n3A_1232 : vector<10x100xi1>, vector<10x100xf32>
    %bitcast_convert_type3A_1239 = tpu.bitcast %select_n3A_1238 : vector<10x100xf32> -> vector<10x100xi32>
    %bitcast_convert_type3A_1240 = tpu.bitcast %add3A_838 : vector<10x100xf32> -> vector<10x100xi32>
    %and3A_1241 = arith.constant -2147483648 : i32
    %and3A_1242 = vector.broadcast %and3A_1241 : i32 to vector<10x100xi32>
    %and3A_1243 = arith.andi %bitcast_convert_type3A_1240, %and3A_1242 : vector<10x100xi32>
    %or3A_1244 = arith.ori %bitcast_convert_type3A_1239, %and3A_1243 : vector<10x100xi32>
    %bitcast_convert_type3A_1245 = tpu.bitcast %or3A_1244 : vector<10x100xi32> -> vector<10x100xf32>
    %mul3A_1246 = arith.mulf %add3A_833, %add3A_833 : vector<10x100xf32>
    %mul3A_1247 = arith.mulf %add3A_838, %add3A_838 : vector<10x100xf32>
    %add3A_1248 = arith.addf %mul3A_1246, %mul3A_1247 : vector<10x100xf32>
    %sqrt3A_1249 = math.sqrt %add3A_1248 : vector<10x100xf32>
    %add3A_1250 = arith.constant 9.99999996E-13 : f32
    %add3A_1251 = vector.broadcast %add3A_1250 : f32 to vector<10x100xf32>
    %add3A_1252 = arith.addf %sqrt3A_1249, %add3A_1251 : vector<10x100xf32>
    %abs3A_1253 = math.absf %add3A_1252 : vector<10x100xf32>
    %abs3A_1254 = math.absf %add3A_846 : vector<10x100xf32>
    %max3A_1255 = arith.maximumf %abs3A_1253, %abs3A_1254 : vector<10x100xf32>
    %min3A_1256 = arith.minimumf %abs3A_1253, %abs3A_1254 : vector<10x100xf32>
    %div3A_1257 = arith.divf %min3A_1256, %max3A_1255 : vector<10x100xf32>
    %mul3A_1258 = arith.mulf %div3A_1257, %div3A_1257 : vector<10x100xf32>
    %mul3A_1259 = arith.constant -0.00180449022 : f32
    %mul3A_1260 = vector.broadcast %mul3A_1259 : f32 to vector<10x100xf32>
    %mul3A_1261 = arith.mulf %mul3A_1260, %mul3A_1258 : vector<10x100xf32>
    %add3A_1262 = arith.constant 0.0109624434 : f32
    %add3A_1263 = vector.broadcast %add3A_1262 : f32 to vector<10x100xf32>
    %add3A_1264 = arith.addf %mul3A_1261, %add3A_1263 : vector<10x100xf32>
    %mul3A_1265 = arith.mulf %add3A_1264, %mul3A_1258 : vector<10x100xf32>
    %add3A_1266 = arith.constant -0.0312645063 : f32
    %add3A_1267 = vector.broadcast %add3A_1266 : f32 to vector<10x100xf32>
    %add3A_1268 = arith.addf %mul3A_1265, %add3A_1267 : vector<10x100xf32>
    %mul3A_1269 = arith.mulf %add3A_1268, %mul3A_1258 : vector<10x100xf32>
    %add3A_1270 = arith.constant 0.0580404513 : f32
    %add3A_1271 = vector.broadcast %add3A_1270 : f32 to vector<10x100xf32>
    %add3A_1272 = arith.addf %mul3A_1269, %add3A_1271 : vector<10x100xf32>
    %mul3A_1273 = arith.mulf %add3A_1272, %mul3A_1258 : vector<10x100xf32>
    %add3A_1274 = arith.constant -0.0840787888 : f32
    %add3A_1275 = vector.broadcast %add3A_1274 : f32 to vector<10x100xf32>
    %add3A_1276 = arith.addf %mul3A_1273, %add3A_1275 : vector<10x100xf32>
    %mul3A_1277 = arith.mulf %add3A_1276, %mul3A_1258 : vector<10x100xf32>
    %add3A_1278 = arith.constant 0.109534502 : f32
    %add3A_1279 = vector.broadcast %add3A_1278 : f32 to vector<10x100xf32>
    %add3A_1280 = arith.addf %mul3A_1277, %add3A_1279 : vector<10x100xf32>
    %mul3A_1281 = arith.mulf %add3A_1280, %mul3A_1258 : vector<10x100xf32>
    %add3A_1282 = arith.constant -0.142643899 : f32
    %add3A_1283 = vector.broadcast %add3A_1282 : f32 to vector<10x100xf32>
    %add3A_1284 = arith.addf %mul3A_1281, %add3A_1283 : vector<10x100xf32>
    %mul3A_1285 = arith.mulf %add3A_1284, %mul3A_1258 : vector<10x100xf32>
    %add3A_1286 = arith.constant 0.19998543 : f32
    %add3A_1287 = vector.broadcast %add3A_1286 : f32 to vector<10x100xf32>
    %add3A_1288 = arith.addf %mul3A_1285, %add3A_1287 : vector<10x100xf32>
    %mul3A_1289 = arith.mulf %add3A_1288, %mul3A_1258 : vector<10x100xf32>
    %add3A_1290 = arith.constant -0.333332956 : f32
    %add3A_1291 = vector.broadcast %add3A_1290 : f32 to vector<10x100xf32>
    %add3A_1292 = arith.addf %mul3A_1289, %add3A_1291 : vector<10x100xf32>
    %mul3A_1293 = arith.mulf %add3A_1292, %mul3A_1258 : vector<10x100xf32>
    %add3A_1294 = arith.constant 1.000000e+00 : f32
    %add3A_1295 = vector.broadcast %add3A_1294 : f32 to vector<10x100xf32>
    %add3A_1296 = arith.addf %mul3A_1293, %add3A_1295 : vector<10x100xf32>
    %mul3A_1297 = arith.mulf %div3A_1257, %add3A_1296 : vector<10x100xf32>
    %gt3A_1298 = arith.cmpf ogt, %abs3A_1254, %abs3A_1253 : vector<10x100xf32>
    %sub3A_1299 = arith.constant 1.57079637 : f32
    %sub3A_1300 = vector.broadcast %sub3A_1299 : f32 to vector<10x100xf32>
    %sub3A_1301 = arith.subf %sub3A_1300, %mul3A_1297 : vector<10x100xf32>
    %select_n3A_1302 = arith.select %gt3A_1298, %sub3A_1301, %mul3A_1297 : vector<10x100xi1>, vector<10x100xf32>
    %lt3A_1303 = arith.constant 0.000000e+00 : f32
    %lt3A_1304 = vector.broadcast %lt3A_1303 : f32 to vector<10x100xf32>
    %lt3A_1305 = arith.cmpf olt, %add3A_1252, %lt3A_1304 : vector<10x100xf32>
    %sub3A_1306 = arith.constant 3.14159274 : f32
    %sub3A_1307 = vector.broadcast %sub3A_1306 : f32 to vector<10x100xf32>
    %sub3A_1308 = arith.subf %sub3A_1307, %select_n3A_1302 : vector<10x100xf32>
    %select_n3A_1309 = arith.select %lt3A_1305, %sub3A_1308, %select_n3A_1302 : vector<10x100xi1>, vector<10x100xf32>
    %eq3A_1310 = arith.constant 0.000000e+00 : f32
    %eq3A_1311 = vector.broadcast %eq3A_1310 : f32 to vector<10x100xf32>
    %eq3A_1312 = arith.cmpf oeq, %max3A_1255, %eq3A_1311 : vector<10x100xf32>
    %jit3A_1313 = arith.constant 0.000000e+00 : f32
    %broadcast_in_dim3A_1314 = vector.broadcast %jit3A_1313 : f32 to vector<10x100xf32>
    %select_n3A_1315 = arith.select %eq3A_1312, %broadcast_in_dim3A_1314, %select_n3A_1309 : vector<10x100xi1>, vector<10x100xf32>
    %bitcast_convert_type3A_1316 = tpu.bitcast %select_n3A_1315 : vector<10x100xf32> -> vector<10x100xi32>
    %bitcast_convert_type3A_1317 = tpu.bitcast %add3A_846 : vector<10x100xf32> -> vector<10x100xi32>
    %and3A_1318 = arith.constant -2147483648 : i32
    %and3A_1319 = vector.broadcast %and3A_1318 : i32 to vector<10x100xi32>
    %and3A_1320 = arith.andi %bitcast_convert_type3A_1317, %and3A_1319 : vector<10x100xi32>
    %or3A_1321 = arith.ori %bitcast_convert_type3A_1316, %and3A_1320 : vector<10x100xi32>
    %bitcast_convert_type3A_1322 = tpu.bitcast %or3A_1321 : vector<10x100xi32> -> vector<10x100xf32>
    %swap3A_1323 = arith.constant 0 : index
    %swap3A_1324 = arith.constant 0 : index
    %swap3A_1325 = arith.constant 0 : index
    %swap3A_1326 = arith.constant 0 : index
    %swap3A_1327 = vector.load %arg6[%swap3A_1323, %swap3A_1324, %swap3A_1325, %swap3A_1326] : memref<1x12x10x100xf32, #tpu.memory_space<vmem>>, vector<1x1x10x100xf32>
    %swap3A_1328 = vector.shape_cast %swap3A_1327 : vector<1x1x10x100xf32> to vector<10x100xf32>
    %swap3A_1329 = vector.shape_cast %add3A_833 : vector<10x100xf32> to vector<1x1x10x100xf32>
    tpu.vector_store %arg6[%swap3A_1323, %swap3A_1324, %swap3A_1325, %swap3A_1326], %swap3A_1329 {strides = array<i32>} : memref<1x12x10x100xf32, #tpu.memory_space<vmem>>, vector<1x1x10x100xf32>,
    %swap3A_1330 = arith.constant 0 : index
    %swap3A_1331 = arith.constant 1 : index
    %swap3A_1332 = arith.constant 0 : index
    %swap3A_1333 = arith.constant 0 : index
    %swap3A_1334 = vector.load %arg6[%swap3A_1330, %swap3A_1331, %swap3A_1332, %swap3A_1333] : memref<1x12x10x100xf32, #tpu.memory_space<vmem>>, vector<1x1x10x100xf32>
    %swap3A_1335 = vector.shape_cast %swap3A_1334 : vector<1x1x10x100xf32> to vector<10x100xf32>
    %swap3A_1336 = vector.shape_cast %add3A_838 : vector<10x100xf32> to vector<1x1x10x100xf32>
    tpu.vector_store %arg6[%swap3A_1330, %swap3A_1331, %swap3A_1332, %swap3A_1333], %swap3A_1336 {strides = array<i32>} : memref<1x12x10x100xf32, #tpu.memory_space<vmem>>, vector<1x1x10x100xf32>,
    %swap3A_1337 = arith.constant 0 : index
    %swap3A_1338 = arith.constant 2 : index
    %swap3A_1339 = arith.constant 0 : index
    %swap3A_1340 = arith.constant 0 : index
    %swap3A_1341 = vector.load %arg6[%swap3A_1337, %swap3A_1338, %swap3A_1339, %swap3A_1340] : memref<1x12x10x100xf32, #tpu.memory_space<vmem>>, vector<1x1x10x100xf32>
    %swap3A_1342 = vector.shape_cast %swap3A_1341 : vector<1x1x10x100xf32> to vector<10x100xf32>
    %swap3A_1343 = vector.shape_cast %add3A_846 : vector<10x100xf32> to vector<1x1x10x100xf32>
    tpu.vector_store %arg6[%swap3A_1337, %swap3A_1338, %swap3A_1339, %swap3A_1340], %swap3A_1343 {strides = array<i32>} : memref<1x12x10x100xf32, #tpu.memory_space<vmem>>, vector<1x1x10x100xf32>,
    %swap3A_1344 = arith.constant 0 : index
    %swap3A_1345 = arith.constant 3 : index
    %swap3A_1346 = arith.constant 0 : index
    %swap3A_1347 = arith.constant 0 : index
    %swap3A_1348 = vector.load %arg6[%swap3A_1344, %swap3A_1345, %swap3A_1346, %swap3A_1347] : memref<1x12x10x100xf32, #tpu.memory_space<vmem>>, vector<1x1x10x100xf32>
    %swap3A_1349 = vector.shape_cast %swap3A_1348 : vector<1x1x10x100xf32> to vector<10x100xf32>
    %swap3A_1350 = vector.shape_cast %bitcast_convert_type3A_1016 : vector<10x100xf32> to vector<1x1x10x100xf32>
    tpu.vector_store %arg6[%swap3A_1344, %swap3A_1345, %swap3A_1346, %swap3A_1347], %swap3A_1350 {strides = array<i32>} : memref<1x12x10x100xf32, #tpu.memory_space<vmem>>, vector<1x1x10x100xf32>,
    %swap3A_1351 = arith.constant 0 : index
    %swap3A_1352 = arith.constant 4 : index
    %swap3A_1353 = arith.constant 0 : index
    %swap3A_1354 = arith.constant 0 : index
    %swap3A_1355 = vector.load %arg6[%swap3A_1351, %swap3A_1352, %swap3A_1353, %swap3A_1354] : memref<1x12x10x100xf32, #tpu.memory_space<vmem>>, vector<1x1x10x100xf32>
    %swap3A_1356 = vector.shape_cast %swap3A_1355 : vector<1x1x10x100xf32> to vector<10x100xf32>
    %swap3A_1357 = vector.shape_cast %bitcast_convert_type3A_1096 : vector<10x100xf32> to vector<1x1x10x100xf32>
    tpu.vector_store %arg6[%swap3A_1351, %swap3A_1352, %swap3A_1353, %swap3A_1354], %swap3A_1357 {strides = array<i32>} : memref<1x12x10x100xf32, #tpu.memory_space<vmem>>, vector<1x1x10x100xf32>,
    %swap3A_1358 = arith.constant 0 : index
    %swap3A_1359 = arith.constant 5 : index
    %swap3A_1360 = arith.constant 0 : index
    %swap3A_1361 = arith.constant 0 : index
    %swap3A_1362 = vector.load %arg6[%swap3A_1358, %swap3A_1359, %swap3A_1360, %swap3A_1361] : memref<1x12x10x100xf32, #tpu.memory_space<vmem>>, vector<1x1x10x100xf32>
    %swap3A_1363 = vector.shape_cast %swap3A_1362 : vector<1x1x10x100xf32> to vector<10x100xf32>
    %swap3A_1364 = vector.shape_cast %bitcast_convert_type3A_1166 : vector<10x100xf32> to vector<1x1x10x100xf32>
    tpu.vector_store %arg6[%swap3A_1358, %swap3A_1359, %swap3A_1360, %swap3A_1361], %swap3A_1364 {strides = array<i32>} : memref<1x12x10x100xf32, #tpu.memory_space<vmem>>, vector<1x1x10x100xf32>,
    %swap3A_1365 = arith.constant 0 : index
    %swap3A_1366 = arith.constant 6 : index
    %swap3A_1367 = arith.constant 0 : index
    %swap3A_1368 = arith.constant 0 : index
    %swap3A_1369 = vector.load %arg6[%swap3A_1365, %swap3A_1366, %swap3A_1367, %swap3A_1368] : memref<1x12x10x100xf32, #tpu.memory_space<vmem>>, vector<1x1x10x100xf32>
    %swap3A_1370 = vector.shape_cast %swap3A_1369 : vector<1x1x10x100xf32> to vector<10x100xf32>
    %swap3A_1371 = vector.shape_cast %sqrt3A_1175 : vector<10x100xf32> to vector<1x1x10x100xf32>
    tpu.vector_store %arg6[%swap3A_1365, %swap3A_1366, %swap3A_1367, %swap3A_1368], %swap3A_1371 {strides = array<i32>} : memref<1x12x10x100xf32, #tpu.memory_space<vmem>>, vector<1x1x10x100xf32>,
    %swap3A_1372 = arith.constant 0 : index
    %swap3A_1373 = arith.constant 7 : index
    %swap3A_1374 = arith.constant 0 : index
    %swap3A_1375 = arith.constant 0 : index
    %swap3A_1376 = vector.load %arg6[%swap3A_1372, %swap3A_1373, %swap3A_1374, %swap3A_1375] : memref<1x12x10x100xf32, #tpu.memory_space<vmem>>, vector<1x1x10x100xf32>
    %swap3A_1377 = vector.shape_cast %swap3A_1376 : vector<1x1x10x100xf32> to vector<10x100xf32>
    %swap3A_1378 = vector.shape_cast %bitcast_convert_type3A_1245 : vector<10x100xf32> to vector<1x1x10x100xf32>
    tpu.vector_store %arg6[%swap3A_1372, %swap3A_1373, %swap3A_1374, %swap3A_1375], %swap3A_1378 {strides = array<i32>} : memref<1x12x10x100xf32, #tpu.memory_space<vmem>>, vector<1x1x10x100xf32>,
    %swap3A_1379 = arith.constant 0 : index
    %swap3A_1380 = arith.constant 8 : index
    %swap3A_1381 = arith.constant 0 : index
    %swap3A_1382 = arith.constant 0 : index
    %swap3A_1383 = vector.load %arg6[%swap3A_1379, %swap3A_1380, %swap3A_1381, %swap3A_1382] : memref<1x12x10x100xf32, #tpu.memory_space<vmem>>, vector<1x1x10x100xf32>
    %swap3A_1384 = vector.shape_cast %swap3A_1383 : vector<1x1x10x100xf32> to vector<10x100xf32>
    %swap3A_1385 = vector.shape_cast %bitcast_convert_type3A_1322 : vector<10x100xf32> to vector<1x1x10x100xf32>
    tpu.vector_store %arg6[%swap3A_1379, %swap3A_1380, %swap3A_1381, %swap3A_1382], %swap3A_1385 {strides = array<i32>} : memref<1x12x10x100xf32, #tpu.memory_space<vmem>>, vector<1x1x10x100xf32>,
    %swap3A_1386 = arith.constant 0 : index
    %swap3A_1387 = arith.constant 9 : index
    %swap3A_1388 = arith.constant 0 : index
    %swap3A_1389 = arith.constant 0 : index
    %swap3A_1390 = vector.load %arg6[%swap3A_1386, %swap3A_1387, %swap3A_1388, %swap3A_1389] : memref<1x12x10x100xf32, #tpu.memory_space<vmem>>, vector<1x1x10x100xf32>
    %swap3A_1391 = vector.shape_cast %swap3A_1390 : vector<1x1x10x100xf32> to vector<10x100xf32>
    %swap3A_1392 = vector.shape_cast %add3A_854 : vector<10x100xf32> to vector<1x1x10x100xf32>
    tpu.vector_store %arg6[%swap3A_1386, %swap3A_1387, %swap3A_1388, %swap3A_1389], %swap3A_1392 {strides = array<i32>} : memref<1x12x10x100xf32, #tpu.memory_space<vmem>>, vector<1x1x10x100xf32>,
    %swap3A_1393 = arith.constant 0 : index
    %swap3A_1394 = arith.constant 10 : index
    %swap3A_1395 = arith.constant 0 : index
    %swap3A_1396 = arith.constant 0 : index
    %swap3A_1397 = vector.load %arg6[%swap3A_1393, %swap3A_1394, %swap3A_1395, %swap3A_1396] : memref<1x12x10x100xf32, #tpu.memory_space<vmem>>, vector<1x1x10x100xf32>
    %swap3A_1398 = vector.shape_cast %swap3A_1397 : vector<1x1x10x100xf32> to vector<10x100xf32>
    %swap3A_1399 = vector.shape_cast %add3A_859 : vector<10x100xf32> to vector<1x1x10x100xf32>
    tpu.vector_store %arg6[%swap3A_1393, %swap3A_1394, %swap3A_1395, %swap3A_1396], %swap3A_1399 {strides = array<i32>} : memref<1x12x10x100xf32, #tpu.memory_space<vmem>>, vector<1x1x10x100xf32>,
    %swap3A_1400 = arith.constant 0 : index
    %swap3A_1401 = arith.constant 11 : index
    %swap3A_1402 = arith.constant 0 : index
    %swap3A_1403 = arith.constant 0 : index
    %swap3A_1404 = vector.load %arg6[%swap3A_1400, %swap3A_1401, %swap3A_1402, %swap3A_1403] : memref<1x12x10x100xf32, #tpu.memory_space<vmem>>, vector<1x1x10x100xf32>
    %swap3A_1405 = vector.shape_cast %swap3A_1404 : vector<1x1x10x100xf32> to vector<10x100xf32>
    %swap3A_1406 = vector.shape_cast %add3A_867 : vector<10x100xf32> to vector<1x1x10x100xf32>
    tpu.vector_store %arg6[%swap3A_1400, %swap3A_1401, %swap3A_1402, %swap3A_1403], %swap3A_1406 {strides = array<i32>} : memref<1x12x10x100xf32, #tpu.memory_space<vmem>>, vector<1x1x10x100xf32>,
    return
  }
  func.func @transform_0(%arg0: i32) -> (i32, i32, i32) {
    %c0_i32 = arith.constant 0 : i32
    %c0_i32_0 = arith.constant 0 : i32
    %c0_i32_1 = arith.constant 0 : i32
    return %arg0, %c0_i32, %c0_i32_0 : i32, i32, i32
  }
  func.func @transform_1(%arg0: i32) -> (i32, i32, i32) {
    %c0_i32 = arith.constant 0 : i32
    %c0_i32_0 = arith.constant 0 : i32
    %c0_i32_1 = arith.constant 0 : i32
    return %arg0, %c0_i32, %c0_i32_0 : i32, i32, i32
  }
  func.func @transform_2(%arg0: i32) -> (i32, i32, i32) {
    %c0_i32 = arith.constant 0 : i32
    %c0_i32_0 = arith.constant 0 : i32
    %c0_i32_1 = arith.constant 0 : i32
    return %arg0, %c0_i32, %c0_i32_0 : i32, i32, i32
  }
  func.func @transform_3(%arg0: i32) -> (i32, i32, i32) {
    %c0_i32 = arith.constant 0 : i32
    %c0_i32_0 = arith.constant 0 : i32
    %c0_i32_1 = arith.constant 0 : i32
    return %arg0, %c0_i32, %c0_i32_0 : i32, i32, i32
  }
  func.func @transform_4(%arg0: i32) -> (i32, i32, i32, i32) {
    %c0_i32 = arith.constant 0 : i32
    %c0_i32_0 = arith.constant 0 : i32
    %c0_i32_1 = arith.constant 0 : i32
    %c0_i32_2 = arith.constant 0 : i32
    return %arg0, %c0_i32, %c0_i32_0, %c0_i32_1 : i32, i32, i32, i32
  }
  func.func @transform_5(%arg0: i32) -> (i32, i32, i32, i32) {
    %c0_i32 = arith.constant 0 : i32
    %c0_i32_0 = arith.constant 0 : i32
    %c0_i32_1 = arith.constant 0 : i32
    %c0_i32_2 = arith.constant 0 : i32
    return %arg0, %c0_i32, %c0_i32_0, %c0_i32_1 : i32, i32, i32, i32
  }
}

</mosaic_0001>

<sc_bundles>
// kernel: sparse-core-data-format-call.cloned.1.call-start
scs
called_computation_lowered:
.L_overlay_start_0:
0x0: {  	s2 =	sld [smem:$0x3FD9]  }
0x1: {  	s3 =	sld [smem:$0x3FFE];
	_ =	sdelay $0x1  }
0x2: {  	s1 =	srdreg.scid  }
0x3: {  	s0 =	sand.u32 $0x1, s1  }
0x4: {  	s15 =	sshll.u32 s0, $0xA;
	s2 =	sadd.s32 s3, s2  }
0x5: {  	s2 =	sadd.s32 s2, s15  }
0x6: {  	[smem:$0x3FC6] =	sst s2  }
0x7: {  	_ = 	snop  }
0x8: {  	s2 =	sld [smem:$0x3FD0];
	_ =	sdelay $0x2  }
0x9: {  	s16 =	simm.s32 $0xA;
	s4 =	simm.s32 $0x10  }
0xa: {  	[smem:s4], [sflag:s16] =	dma.local [hbm:s2], $0x1  }
0xb: {  	_ =	swait.eq [sflag:s16], $0x1  }
0xc: {  	[sflag:s16] =	ssyncset.done $0x0  }
0xd: {  	[sflag:s16] =	ssyncadd.s32 $0xFFFFFFFF  }
0xe: {  	s17 =	sld [smem:$0x12];
	(tm) =	ssettm $0x1  }
0xf: {  	s18 =	sld [smem:$0x3FFB];
	_ =	sdelay $0x3  }
0x10: {  	_ =	strace s18  }
0x11: {  	s3 =	sld [smem:$0x3FFC];
	_ =	sdelay $0x3  }
0x12: {  	_ =	strace s3  }
0x13: {  	s3 =	sld [smem:$0x3FFD];
	_ =	sdelay $0x3  }
0x14: {  	_ =	strace s3  }
0x15: {  	_ =	strace $0x8FFFFFFF  }
0x16: {  	s19 =	sld [smem:$0x3FDB];
	_ =	sdelay $0x1  }
0x17: {  	s20 =	simm.s32 $_scs_section_size  }
0x18: {  	s5 =	simm.s32 $_size__tile_overlayer_lowered;
	s6 =	simm.s32 $_tile_overlayer_lowered  }
0x19: {  	s23 =	simm.s32 $0x1BFF;
	s22 =	sshll.u32 s6, $0x1;
	s3 =	sadd.s32 s20, s19  }
0x1a: {  	s7 =	simm.s32 $0x0;
	s21 =	sshll.u32 s5, $0x1;
	s5 =	sadd.s32 s22, s3  }
0x1b: {  	[timem:s7], [sflag:s23] =	dma.local [hbm:s5], s21  }
0x1c: {  	_ =	swait.ge [sflag:s23], s21  }
0x1d: {  	s4 =	ssub.s32 $0x0, s21;
	[sflag:s23] =	ssyncset.done $0x0  }
0x1e: {  	[sflag:s23] =	ssyncadd.s32 s4;
	_ =	sdelay $0x1  }
0x1f: {  	s24 =	simm.s32 $0x1B8B  }
0x20: {  	_ =	swait.ge [sflag:s24], $0x1  }
0x21: {  	[sflag:s24] =	ssyncset.done $0x0  }
0x22: {  	s26 =	simm.s32 $0x1B8E;
	s25 =	sld [smem:$0x3FFE];
	[sflag:s24] =	ssyncadd.s32 $0xFFFFFFFF  }
0x23: {  	s27 =	simm.s32 $execute0_lowered;
	[smem:$0x3FD2] =	sst s26  }
0x24: {  	s5 =	sshll.u32 s27, $0x1;
	_ =	strace $0x80000046;
	[dreg:$0x1] =	wrdreg $0xFFFFFFFF  }
0x25: {  	s28 =	simm.s32 $_size_execute0_lowered;
	s3 =	sadd.s32 s3, s5;
	[dreg:$0x0] =	wrdreg $0x0  }
0x26: {  	s5 =	sshll.u32 s28, $0x1;
	[dreg:$0x2] =	wrdreg s3  }
0x27: {  	[dreg:$0x3] =	wrdreg s5  }
0x28: {  	[dreg:$0x4] =	wrdreg $0xC0  }
0x29: {  	_ =	task [dreg:s7], $0x5FFFF  }
0x2a: {  	[dreg:$0x1] =	wrdreg $0xFFFFFFFF  }
0x2b: {  	[dreg:$0x0] =	wrdreg $0x60  }
0x2c: {  	[dreg:$0x2] =	wrdreg s17  }
0x2d: {  	[dreg:$0x3] =	wrdreg s25  }
0x2e: {  	[dreg:$0x4] =	wrdreg $0x9  }
0x2f: {  	_ =	task.clear_ibuf [dreg:s7], $0x5FFFF;
	_ =	strace $0x90000046  }
0x30: {  	s29 =	simm.s32 $0x9;
	_ =	strace $0x80000048  }
0x31: {  	_ =	swait.ge [sflag:s29], $0x1  }
0x32: {  	[sflag:s29] =	ssyncadd.s32 $0xFFFFFFFF  }
0x33: {  	_ =	strace $0x90000048  }
0x34: {  	_ =	sfence  }
0x35: {  	s30 =	sld [smem:$0x0];
	_ =	sdelay $0x2  }
0x36: {  	s31 =	sshll.u32 s1, $0xD;
	s1 =	sshrl.u32 s1, $0x2  }
0x37: {  	s3 =	sand.u32 $0x4000, s31;
	s1 =	sadd.s32 s1, s30  }
0x38: {  	s0 =	sor.u32 s3, s0;
	s1 =	sshll.u32 s1, $0x11  }
0x39: {  	s0 =	sor.u32 s1, s0  }
0x3a: {  	s0 =	sadd.s32 $0x8F2B, s0  }
0x3b: {  	[sflag:s0] =	ssyncadd.remote.s32 $0x1  }
0x3c: {  	_ =	sfence.sel $0xFFFF  }
0x3d: {  	[dreg:$0x0] =	wrdreg $0xFFFFFFFF;
	(pc) =	sbr.abs _section_cstart, $3  }
0x3e: {  	[dreg:$0x1] =	wrdreg $0xFFFFFFFF  }
0x3f: {  	_ =	task.clear_ibuf [dreg:s7], $0x2FFFF;
	_ =	strace $0x9FFFFFFF  }
0x40: {  	(tm) =	ssettm $0x7FFFFFFF  }
0x41: {  	_ =	shalt  }
tec
execute0_lowered:
.L_overlay_start_1:
0x0: {  	(tag) =	ssettag $0x1  }
0x1: {  	s2 =	rddreg [dreg:$0x0]  }
0x2: {  	s0 =	srdreg.scid;
	s6 =	rddreg [dreg:$0x1]  }
0x3: {  	s7 =	simm.s32 $0x2;
	s15 =	simm.s32 $0x0;
	p0 =	por $0x0, $0x0  }
0x4: {  	s17 =	simm.s32 $0x0;
	s16 =	simm.s32 $0x0;
	s1 =	sshll.u32 s0, $0x4  }
0x5: {  	s8 =	simm.s32 $0x0;
	s0 =	stileid.u32;
	s1 =	sand.u32 $0x10, s1  }
0x6: {  	s9 =	simm.s32 $0x0;
	s10 =	simm.s32 $0x0;
	s3 =	sor.u32 s0, s1  }
.Ltmp0:
0x7: {  	s12 =	simm.s32 $0x0;
	s4 =	ssub.s32 $0x83, s3;
	(pc) =	sbr.rel .LBB1_1-.Ltmp0, $4  }
0x8: {  	s13 =	simm.s32 $0x0;
	s1 =	rddreg [dreg:$0x2];
	s5 =	sshrl.u32 s4, $0x5  }
0x9: {  	_ =	strace $0x80000047;
	s4 =	simm.s32 $0x1;
	s5 =	smul.u32 $0xC, s5  }
0xa: {  	s14 =	simm.s32 $0x0;
	s6 =	sadd.s32 $0x3600, s6;
	[sflag:s4] =	ssyncpa.u1 $0x0  }
0xb: {  	s11 =	smov.u32 s3;
	[sflag:s7] =	ssyncpa.u1 $0x0;
	s7 =	sor.u32 $0x1, s5  }
.LBB1_4:
0xc: {  	s22 =	sshra.s32 s22, $0x2;
	s30 =	sshrl.u32 s10, $0x4  }
0xd: {  	p1 =	sgt.s32 s9, $0xB;
	s23 =	smov.u32 s9;
	s24 =	sshra.s32 s9, $0x1F  }
0xe: {  	s26 =	ssub.s32 $0x0, s10;
	s31 =	sshra.s32 s8, $0x1F;
	s21 =	sadd.s32 s22, s21  }
0xf: {  	s22 =	sand.u32 $0x1FFFFF8, s30;
	s23 =	simm.s32 @!p1 $0xB;
	s24 =	sand.u32 s24, s9  }
0x10: {  	v5 =	vld [tilespmem:s19+$0xFFFFFFD0];
	[tilespmem:s20+$0x2040 ss:$0x81] =	vst.msk $0xffff, v4;
	p1 =	sgt.s32 s8, $0x63;
	s26 =	smin.u32 s10, s26;
	s29 =	sand.u32 s31, s8  }
0x11: {  	v58 =	vld [tilespmem:s19+$0xFFFFFFE0];
	[tilespmem:s20+$0x2850 ss:$0x81] =	vst.msk $0xffff, v3;
	s25 =	smulhi.u32 $0x2762763, s22;
	s23 =	ssub.s32 s23, s24;
	s24 =	smov.u32 s8  }
0x12: {  	v59 =	vld [tilespmem:s19+$0xFFFFFFF0];
	[tilespmem:s20+$0x3060 ss:$0x81] =	vst.msk $0xffff, v2;
	s28 =	ssub.s32 $0x80, s26;
	s27 =	sadd.s32 $0xFFFFFFF5, s23;
	s24 =	simm.s32 @!p1 $0x63  }
0x13: {  	[tilespmem:s20+$0x0 ss:$0x81] =	vst.msk $0xffff, v1;
	v60 =	vld [tilespmem:s19+$0x0];
	s20 =	ssub.s32 $0xC, s23;
	p1 =	sgt.s32 s27, $0x0;
	s27 =	smul.u32 $0x68, s28  }
0x14: {  	v61 =	vld [tilespmem:s19+$0x10];
	[tilespmem:s21+$0x3870 ss:$0x81] =	vst.msk $0xffff, v0;
	s23 =	ssub.s32 s24, s29;
	s30 =	smul.u32 $0x68, s25;
	s28 =	sshrl.u32 s10, $0x3  }
0x15: {  	v62 =	vld [tilespmem:s19+$0x20];
	s29 =	smul.u32 $0x680, s8;
	s20 =	simm.s32 @p1 $0x0;
	p1 =	sgt.s32 s26, $0x7F;
	[tilespmem:s21+$0x810 ss:$0x81] =	vst.msk $0xffff, v5  }
0x16: {  	v63 =	vld [tilespmem:s19+$0xFFFFFFC0];
	s31 =	sadd.s32 $0xFFFFFF9D, s23;
	[tilespmem:s21+$0x1020 ss:$0x81] =	vst.msk $0xffff, v58;
	s26 =	smul.u32 $0x28A00, s9;
	s27 =	simm.s32 @p1 $0x0  }
0x17: {  	s19 =	ssub.s32 $0x64, s23;
	[tilespmem:s21+$0x1830 ss:$0x81] =	vst.msk $0xffff, v59;
	p1 =	sgt.s32 s31, $0x0;
	s20 =	smul.u32 s20, s27  }
0x18: {  	[tilespmem:s21+$0x2040 ss:$0x81] =	vst.msk $0xffff, v60;
	s25 =	sand.u32 $0xF, s28;
	s19 =	simm.s32 @p1 $0x0;
	s23 =	sadd.s32 s6, s26  }
0x19: {  	[tilespmem:s21+$0x2850 ss:$0x81] =	vst.msk $0xffff, v61;
	s22 =	ssub.s32 s22, s30;
	s30 =	sadd.s32 s25, s23;
	s19 =	smul.u32 s19, s20  }
0x1a: {  	[tilespmem:s21+$0x3060 ss:$0x81] =	vst.msk $0xffff, v62;
	s22 =	sshll.u32 s22, $0x4;
	s20 =	sadd.s32 s29, s30  }
0x1b: {  	[tilespmem:s21+$0x0 ss:$0x81] =	vst.msk $0xffff, v63;
	s31 =	sand.u32 $0x7, s10;
	s20 =	sadd.s32 s22, s20;
	s19 =	sand.u32 $0x3FFFFFF8, s19  }
0x1c: {  	[hbm4b:s20+s31] =	stream.linear.scatter [tilespmem:s18], [sflag:$0x2], s19, $0x20;
	[tilespmem:$0x10100] =	vst v63  }
.LBB1_5:
0x1d: {  	p1 =	slt.u32 s14, $0x2  }
0x1e: {  	p2 =	sgt.s32 @!p1 s17, $0xB  }
0x1f: {  	s18 =	smov.u32 s17;
	s19 =	sshra.s32 @!p1 s17, $0x1F;
	p2 =	por !p2, p1  }
0x20: {  	s17 =	sand.u32 @!p1 s19, s17;
	s18 =	simm.s32 @p2 $0xB  }
0x21: {  	s17 =	ssub.s32 @!p1 s18, s17  }
0x22: {  	p3 =	sgt.s32 @!p1 s15, $0x63;
	s18 =	sadd.s32 @!p1 $0xFFFFFFF5, s17  }
0x23: {  	p3 =	por !p3, p1;
	p2 =	sgt.s32 @!p1 s18, $0x0;
	s18 =	sshra.s32 @!p1 s15, $0x1F  }
0x24: {  	s19 =	smov.u32 s15;
	s15 =	sand.u32 @!p1 s18, s15;
	s18 =	ssub.s32 @!p1 $0x0, s16  }
0x25: {  	s17 =	ssub.s32 @!p1 $0xC, s17;
	p2 =	por !p2, p1;
	s16 =	smin.u32 @!p1 s16, s18  }
0x26: {  	s19 =	simm.s32 @p3 $0x63;
	s17 =	simm.s32 @!p2 $0x0;
	s18 =	ssub.s32 @!p1 $0x80, s16  }
0x27: {  	s15 =	ssub.s32 @!p1 s19, s15;
	p2 =	sgt.s32 @!p1 s16, $0x7F;
	s16 =	smul.u32 @!p1 $0x68, s18  }
0x28: {  	s19 =	sadd.s32 @!p1 $0xFFFFFF9D, s15;
	p2 =	por !p2, p1  }
0x29: {  	p3 =	sgt.s32 @!p1 s19, $0x0;
	s18 =	sadd.s32 $0x20, s11;
	s16 =	simm.s32 @!p2 $0x0  }
0x2a: {  	p2 =	sgt.s32 s18, $0x63;
	s16 =	smul.u32 @!p1 s17, s16;
	s17 =	simm.s32 $0x1  }
0x2b: {  	s15 =	ssub.s32 @!p1 $0x64, s15;
	p3 =	por !p3, p1;
	s17 =	simm.s32 @!p2 $0x0  }
0x2c: {  	s20 =	smov.u32 s13;
	s15 =	simm.s32 @!p3 $0x0;
	s19 =	sadd.s32 s17, s12  }
0x2d: {  	s15 =	smul.u32 @!p1 s15, s16;
	s16 =	sadd.s32 $0x80, s13;
	p3 =	sgt.s32 s19, $0xB  }
0x2e: {  	p0 =	por !p0, !p0;
	s21 =	simm.s32 @!p1 $0x2;
	s20 =	smov.u32 @p3 s16  }
0x2f: {  	s18 =	smov.u32 @p2 s3;
	s17 =	smov.u32 s9;
	p2 =	sgt.s32 s20, $0x7F  }
0x30: {  	s9 =	smov.u32 s12;
	s20 =	simm.s32 @p2 $0x0;
	p2 =	sne.s32 s14, s7  }
.Ltmp1:
0x31: {  	s15 =	sand.u32 @!p1 $0x3FFFFFF8, s15;
	s19 =	simm.s32 @p3 $0x0;
	(pc) =	sbr.rel @!p2 .LBB1_6-.Ltmp1, $4  }
0x32: {  	s16 =	smov.u32 s10;
	s10 =	smov.u32 s13;
	_ =	swait.ge @!p1 [sflag:s21], s15  }
0x33: {  	s22 =	ssub.s32 @!p1 $0x0, s15;
	s15 =	smov.u32 s8;
	s8 =	smov.u32 s11  }
0x34: {  	s11 =	smov.u32 s18;
	s12 =	smov.u32 s19;
	[sflag:s21] =	ssyncset.done @!p1 $0x0  }
0x35: {  	s14 =	sadd.s32 $0x1, s14;
	[sflag:s21] =	ssyncadd.s32 @!p1 s22;
	s13 =	smov.u32 s20  }
.LBB1_1:
0x36: {  	p1 =	sge.u32 s14, s5  }
0x37: {  	s18 =	sand.u32 @!p1 $0x1FFFFFF, s11;
	s20 =	smul.u32 @!p1 $0x4E00, s13  }
0x38: {  	s19 =	smulhi.u32 @!p1 $0x2762763, s18  }
0x39: {  	s22 =	smul.u32 @!p1 $0x680, s12  }
0x3a: {  	s19 =	smul.u32 @!p1 $0x68, s19  }
0x3b: {  	s31 =	sadd.s32 $0xFFFFFFFF, s14;
	s20 =	sadd.s32 @!p1 s2, s20  }
0x3c: {  	s21 =	sxor.u32 @!p1 $0xFFFFFFFF, s14;
	s20 =	sadd.s32 @!p1 s22, s20;
	s18 =	ssub.s32 @!p1 s18, s19  }
0x3d: {  	s19 =	sshll.u32 @!p1 s21, $0xE;
	s21 =	simm.s32 @!p1 $0x27000;
	s18 =	sshll.u32 @!p1 s18, $0x4  }
0x3e: {  	s19 =	sand.u32 @!p1 $0x4000, s19;
	s18 =	sadd.s32 @!p1 s18, s20;
	s20 =	simm.s32 @!p1 $0x80  }
0x3f: {  	[tilespmem:s19], [sflag:$0x1] =	stream.strided.gather @!p1 [hbm4b:s18+s20], $0x4000, s21, s20, $0x38;
	[tilespmem:$0x10100] =	vst v63  }
0x40: {  	p1 =	sge.u32 s31, s5  }
.Ltmp2:
0x41: {  	_ = 	snop;
	(pc) =	sbr.rel @p1 .LBB1_5-.Ltmp2, $1  }
0x42: {  	_ =	sdelay $0x3  }
0x43: {  	s18 =	simm.s32 $0x1  }
0x44: {  	_ =	swait.ge [sflag:s4], $0x4000;
	s18 =	simm.s32 @!p0 $0x0  }
0x45: {  	[sflag:s4] =	ssyncset.done $0x0;
	s19 =	sshll.u32 s18, $0xE  }
0x46: {  	[sflag:s4] =	ssyncadd.s32 $0xFFFFC000;
	s19 =	sor.u32 $0x40, s19  }
0x47: {  	s18 =	smul.u32 $0x10200, s18;
	v0 =	vld [tilespmem:s19+$0x30]  }
0x48: {  	v1 =	vld [tilespmem:s19+$0xFFFFFFD0]  }
0x49: {  	s18 =	sshrl.u32 s18, $0x2;
	v5 =	vld [tilespmem:s19+$0xFFFFFFE0]  }
0x4a: {  	v6 =	vld [tilespmem:s19+$0xFFFFFFF0];
	s21 =	sor.u32 $0x8000, s18  }
0x4b: {  	s31 =	sand.u32 $0x1, s14;
	v4 =	vld [tilespmem:s19+$0x0];
	s20 =	sadd.s32 $0x0, s21  }
0x4c: {  	v3 =	vld [tilespmem:s19+$0x10];
	s18 =	smul.u32 $0x10200, s31;
	[tilespmem:s20+$0x3870 ss:$0x81] =	vst.msk $0xffff, v0  }
0x4d: {  	v2 =	vld [tilespmem:s19+$0x20];
	[tilespmem:s20+$0x810 ss:$0x81] =	vst.msk $0xffff, v1  }
0x4e: {  	s18 =	sshrl.u32 s18, $0x2;
	v1 =	vld [tilespmem:s19+$0xFFFFFFC0];
	[tilespmem:s20+$0x1020 ss:$0x81] =	vst.msk $0xffff, v5;
	s19 =	sadd.s32 $0x80, s19  }
0x4f: {  	s22 =	simm.s32 $0x4;
	s23 =	simm.s32 $0x8;
	s18 =	sor.u32 $0x8000, s18;
	[tilespmem:s20+$0x1830 ss:$0x81] =	vst.msk $0xffff, v6;
	v0 =	vld [tilespmem:s19+$0x30]  }
.LBB1_3:
0x50: {  	p1 =	sne.s32 s23, $0x1FC;
	v5 =	vld [tilespmem:s19+$0xFFFFFFD0];
	[tilespmem:s20+$0x2040 ss:$0x81] =	vst.msk $0xffff, v4  }
0x51: {  	v6 =	vld [tilespmem:s19+$0xFFFFFFE0];
	[tilespmem:s20+$0x2850 ss:$0x81] =	vst.msk $0xffff, v3  }
0x52: {  	s24 =	sshra.s32 s22, $0x2;
	s22 =	smov.u32 s23;
	v7 =	vld [tilespmem:s19+$0xFFFFFFF0];
	[tilespmem:s20+$0x3060 ss:$0x81] =	vst.msk $0xffff, v2  }
.Ltmp3:
0x53: {  	v4 =	vld [tilespmem:s19+$0x0];
	[tilespmem:s20+$0x0 ss:$0x81] =	vst.msk $0xffff, v1;
	s20 =	sadd.s32 s24, s21;
	(pc) =	sbr.rel @p1 .LBB1_3-.Ltmp3, $4  }
0x54: {  	v3 =	vld [tilespmem:s19+$0x10];
	[tilespmem:s20+$0x3870 ss:$0x81] =	vst.msk $0xffff, v0  }
0x55: {  	[tilespmem:s20+$0x810 ss:$0x81] =	vst.msk $0xffff, v5;
	v2 =	vld [tilespmem:s19+$0x20]  }
0x56: {  	v1 =	vld [tilespmem:s19+$0xFFFFFFC0];
	[tilespmem:s20+$0x1020 ss:$0x81] =	vst.msk $0xffff, v6;
	s19 =	sadd.s32 $0x80, s19  }
0x57: {  	s23 =	sadd.s32 $0x4, s23;
	v0 =	vld [tilespmem:s19+$0x30];
	[tilespmem:s20+$0x1830 ss:$0x81] =	vst.msk $0xffff, v7  }
.Ltmp4:
0x58: {  	_ = 	snop;
	(pc) =	sbr.rel .LBB1_4-.Ltmp4, $1  }
0x59: {  	_ =	sdelay $0x3  }
.LBB1_6:
0x5a: {  	_ =	sfence.sel $0x180000  }
0x5b: {  	s2 =	simm.s32 $0x1;
	[bflag:$0x0] =	sbarrier.arrive $0xFFFF  }
0x5c: {  	s31 =	simm.s32 $0x2;
	[sflag:s2] =	ssyncpa.u1 $0x1  }
0x5d: {  	[sflag:s31] =	ssyncpa.u1 $0x1  }
0x5e: {  	p0 =	sne.s32 s0, $0x0;
	_ =	strace $0x90000047  }
0x5f: {  	s0 =	sadd.s32 @!p0 $0x100000, s1;
	[bflag:$0x2] =	sbarrier.arrive $0xFFFF  }
0x60: {  	[sflag:s0] =	ssyncadd.tile.s32 @!p0 $0x1;
	_ =	shalt  }
.Lfunc_end1:
_tile_overlayer_lowered:
.L_overlay_start_2:
0x61: {  	(tag) =	ssettag $0x2  }
0x62: {  	s0 =	rddreg [dreg:$0x0];
	s2 =	stileid.u32  }
0x63: {  	s1 =	rddreg [dreg:$0x1];
	p0 =	sne.s32 s2, $0x0  }
0x64: {  	s3 =	rddreg [dreg:$0x2];
	[bflag:$0x3] =	sbarrier.arrive $0xFFFF;
	s2 =	simm.s32 @!p0 $0x1C01  }
0x65: {  	[timem:s3], [sflag:s2] =	dma.local @!p0 [hbm:s0], s1  }
0x66: {  	s0 =	simm.s32 @!p0 $0x1  }
0x67: {  	_ =	swait.ge @!p0 [sflag:s0], s1  }
0x68: {  	s1 =	ssub.s32 @!p0 $0x0, s1;
	[sflag:s0] =	ssyncset.done @!p0 $0x0  }
0x69: {  	[sflag:s0] =	ssyncadd.s32 @!p0 s1  }
0x6a: {  	[bflag:$0x3] =	sbarrier.arrive $0xFFFF  }
0x6b: {  	_ =	shalt  }

</sc_bundles>
